<compile_context>
chip_gen: v7x
topology: tpu7x:2x2x1
jax: 0.10.2.dev20260603
libtpu: 0.0.44.dev20260713+nightly
codegen_flags: <defaults>
</compile_context>

<pallas_src>
import jax
import jax.numpy as jnp
from jax import lax
from jax.experimental import pallas as pl
from jax.experimental.pallas import tpu as pltpu
from jax.experimental.pallas import tpu_sc as plsc

E = 1600000
H = 4
D = 8
ATT_NORM = 4.0
EPS = 1e-12

NC = 2
NS = 16
NW = NC * NS
L = 16

BE = 8192
GRID = (E + BE - 1) // BE
RB = BE // 32

NQ = 25088
NPT = NQ // NW
SUB = NPT * H
TBL = NQ * H

CE_B = 512
CE_C = 1000
EPT = E // NW


def _norm_body(x_ref, o0, o1, o2, o3):
    x = x_ref[...]
    x2 = x * x
    outs = (o0, o1, o2, o3)
    for h in range(H):
        outs[h][...] = jnp.sum(x2[h * D:(h + 1) * D, :], axis=0)


def _norms(xt):
    return pl.pallas_call(
        _norm_body,
        grid=(GRID,),
        in_specs=[pl.BlockSpec((H * D, BE), lambda i: (0, i))],
        out_specs=[pl.BlockSpec((BE,), lambda i: (i,)) for _ in range(H)],
        out_shape=[jax.ShapeDtypeStruct((E,), jnp.float32) for _ in range(H)],
    )(xt)


def _scatter_body(params_hbm, idx_hbm, n0_hbm, n1_hbm, n2_hbm, n3_hbm, f_hbm,
                  pbuf, idx_v, n0_v, n1_v, n2_v, n3_v, tbl, outb):
    wid = lax.axis_index("s") * NC + lax.axis_index("c")
    lane = lax.iota(jnp.int32, L)

    pltpu.sync_copy(params_hbm.at[wid], pbuf)
    pv = pbuf[...]

    def scal(j):
        return jnp.sum(jnp.where(lane == j, pv, 0))

    s_al = scal(0)
    nchunks = scal(1)
    s_e = scal(2)
    e_e = scal(3)

    def zinit(j, _):
        tbl[pl.ds(j * L, L)] = jnp.zeros((L,), jnp.float32)
        return 0

    lax.fori_loop(0, (L * SUB) // L, zinit, 0)

    lo4 = wid * SUB
    lane_base = lane * SUB
    nvs = (n0_v, n1_v, n2_v, n3_v)

    def chunk(k, _):
        off_e = jnp.maximum(jnp.minimum(s_al + k * CE_B, E - CE_B), 0)
        off_e = pl.multiple_of(off_e, 8)
        pltpu.sync_copy(idx_hbm.at[pl.ds(off_e, CE_B)], idx_v)
        pltpu.sync_copy(n0_hbm.at[pl.ds(off_e, CE_B)], n0_v)
        pltpu.sync_copy(n1_hbm.at[pl.ds(off_e, CE_B)], n1_v)
        pltpu.sync_copy(n2_hbm.at[pl.ds(off_e, CE_B)], n2_v)
        pltpu.sync_copy(n3_hbm.at[pl.ds(off_e, CE_B)], n3_v)

        def group(i, _):
            sl = pl.ds(pl.multiple_of(i * L, L), L)
            eidx = idx_v[sl]
            p = off_e + i * L + lane
            msk = (p >= s_e) & (p < e_e)
            a0 = eidx * H - lo4 + lane_base
            for h in range(H):
                cur = plsc.load_gather(tbl, [a0 + h], mask=msk)
                plsc.store_scatter(tbl, [a0 + h],
                                   jnp.maximum(cur, nvs[h][sl]), mask=msk)
            return 0

        lax.fori_loop(0, CE_B // L, group, 0)
        return 0

    lax.fori_loop(0, nchunks, chunk, 0)

    def merge(j, _):
        m = tbl[pl.ds(j * L, L)]
        for l in range(1, L):
            m = jnp.maximum(m, tbl[pl.ds(l * SUB + j * L, L)])
        outb[pl.ds(j * L, L)] = m
        return 0

    lax.fori_loop(0, SUB // L, merge, 0)
    pltpu.sync_copy(outb, f_hbm.at[pl.ds(wid * SUB, SUB)])


def _scatter_max(params, index, nx_planes):
    mesh = plsc.VectorSubcoreMesh(
        core_axis_name="c", subcore_axis_name="s", num_cores=NC, num_subcores=NS)
    return pl.kernel(
        _scatter_body,
        out_type=jax.ShapeDtypeStruct((TBL,), jnp.float32),
        mesh=mesh,
        compiler_params=pltpu.CompilerParams(needs_layout_passes=False),
        scratch_types=[
            pltpu.VMEM((L,), jnp.int32),
            pltpu.VMEM((CE_B,), jnp.int32),
            pltpu.VMEM((CE_B,), jnp.float32),
            pltpu.VMEM((CE_B,), jnp.float32),
            pltpu.VMEM((CE_B,), jnp.float32),
            pltpu.VMEM((CE_B,), jnp.float32),
            pltpu.VMEM((L * SUB,), jnp.float32),
            pltpu.VMEM((SUB,), jnp.float32),
        ],
    )(params, index, *nx_planes)


NG = E // 128
NP2 = NG // 2
P_LO = NP2 // NW
P_EXTRA = NP2 - P_LO * NW
GC = 8
CC = GC * 128
NCH = ((P_LO + 1) * 2 + GC - 1) // GC


def _gather_body(idx_hbm, f_hbm, n0_hbm, n1_hbm, n2_hbm, n3_hbm, s2_hbm,
                 ftbl, idx_v, n0_v, n1_v, n2_v, n3_v, sbuf):
    wid = lax.axis_index("s") * NC + lax.axis_index("c")

    pltpu.sync_copy(f_hbm, ftbl)

    base_g = (wid * P_LO + jnp.minimum(wid, P_EXTRA)) * 2
    ng = (P_LO + jnp.where(wid < P_EXTRA, 1, 0)) * 2
    nvs = (n0_v, n1_v, n2_v, n3_v)

    def chunk(k, _):
        off_g = jnp.minimum(base_g + k * GC, base_g + ng - GC)
        off_e = pl.multiple_of(off_g * 128, 8)
        pltpu.sync_copy(idx_hbm.at[pl.ds(off_e, CC)], idx_v)
        pltpu.sync_copy(n0_hbm.at[pl.ds(off_e, CC)], n0_v)
        pltpu.sync_copy(n1_hbm.at[pl.ds(off_e, CC)], n1_v)
        pltpu.sync_copy(n2_hbm.at[pl.ds(off_e, CC)], n2_v)
        pltpu.sync_copy(n3_hbm.at[pl.ds(off_e, CC)], n3_v)

        for j in range(GC):
            def ii_body(ii, _):
                sl = pl.ds(pl.multiple_of(j * 128 + ii * L, L), L)
                gv = plsc.load_gather(ftbl, [idx_v[sl]])
                c16 = pl.ds(pl.multiple_of(ii * L, L), L)
                for h in range(H):
                    sbuf[H * j + h, c16] = gv + nvs[h][sl]
                return 0

            lax.fori_loop(0, 128 // L, ii_body, 0)

        row0 = pl.multiple_of(off_g * H, 8)
        pltpu.sync_copy(sbuf, s2_hbm.at[pl.ds(row0, H * GC), :])
        return 0

    lax.fori_loop(0, NCH, chunk, 0)


def _gather_fuse(index, f, nx_planes):
    mesh = plsc.VectorSubcoreMesh(
        core_axis_name="c", subcore_axis_name="s", num_cores=NC, num_subcores=NS)
    return pl.kernel(
        _gather_body,
        out_type=jax.ShapeDtypeStruct((E // 128 * H, 128), jnp.float32),
        mesh=mesh,
        compiler_params=pltpu.CompilerParams(needs_layout_passes=False),
        scratch_types=[
            pltpu.VMEM((TBL,), jnp.float32),
            pltpu.VMEM((CC,), jnp.int32),
            pltpu.VMEM((CC,), jnp.float32),
            pltpu.VMEM((CC,), jnp.float32),
            pltpu.VMEM((CC,), jnp.float32),
            pltpu.VMEM((CC,), jnp.float32),
            pltpu.VMEM((H * GC, 128), jnp.float32),
        ],
    )(index, f, *nx_planes)


RD = 400


def _final_body(a_ref, s_ref, attl_ref, attr_ref, o_ref):
    attl = attl_ref[...]
    attr = attr_ref[...]
    hrow = lax.broadcasted_iota(jnp.int32, (RD, 128), 0) % H
    na = jnp.zeros((RD, 128), jnp.float32)
    for h in range(H):
        s = jnp.sum(attl[0, h, :] * attl[0, h, :]) + jnp.sum(attr[0, h, :] * attr[0, h, :])
        na = jnp.where(hrow == h, ATT_NORM * jnp.sqrt(s), na)
    o_ref[...] = a_ref[...] / (na * jnp.sqrt(s_ref[...]) + EPS)


def _final(a2, s2, att_l, att_r):
    return pl.pallas_call(
        _final_body,
        grid=(E // 128 * H // RD,),
        in_specs=[
            pl.BlockSpec((RD, 128), lambda i: (i, 0)),
            pl.BlockSpec((RD, 128), lambda i: (i, 0)),
            pl.BlockSpec((1, H, D), lambda i: (0, 0, 0)),
            pl.BlockSpec((1, H, D), lambda i: (0, 0, 0)),
        ],
        out_specs=pl.BlockSpec((RD, 128), lambda i: (i, 0)),
        out_shape=jax.ShapeDtypeStruct((E // 128 * H, 128), jnp.float32),
    )(a2, s2, att_l, att_r)


def kernel(x, att_l, att_r, alpha, index):
    xt = jnp.transpose(x, (1, 2, 0)).reshape(H * D, E)
    a2 = jnp.transpose(alpha.reshape(E // 128, 128, H), (0, 2, 1)).reshape(E // 128 * H, 128)

    nx_planes = _norms(xt)

    ticks = jnp.arange(NW + 1, dtype=jnp.int32) * NPT
    starts = jnp.searchsorted(index, ticks, side="left").astype(jnp.int32)
    s = starts[:NW]
    e = starts[1:]
    s_al = (s // 8) * 8
    nchunks = (e - s_al + CE_B - 1) // CE_B
    params = jnp.zeros((NW, L), jnp.int32)
    params = params.at[:, 0].set(s_al)
    params = params.at[:, 1].set(nchunks)
    params = params.at[:, 2].set(s)
    params = params.at[:, 3].set(e)

    f = _scatter_max(params, index, nx_planes)
    s2 = _gather_fuse(index, f, nx_planes)
    out2 = _final(a2, s2, att_l, att_r)
    return jnp.transpose(out2.reshape(E // 128, H, 128), (0, 2, 1)).reshape(E, H)

# --- scband reference (transcript-rebuilt; emitter-appended) ---
"""Pipeline reference for scband-lipschitz-norm-28819230556489 (READ-ONLY COPY).

The authoritative reference and input builder live on the scoring server;
editing this copy changes nothing except your own understanding.
"""

import jax, jax.numpy as jnp
import numpy as np

N_NODES = 100000
E = 1600000
H = 4
D = 8
ATT_NORM = 4.0
EPS = 1e-12


def setup_inputs(seed: int = 0) -> dict:
    key = jax.random.key(seed)
    k1, k2, k3, k4, k5 = jax.random.split(key, 5)
    x = jax.random.normal(k1, (E, H, D), dtype=jnp.float32)
    att_l = jax.random.normal(k2, (1, H, D), dtype=jnp.float32)
    att_r = jax.random.normal(k3, (1, H, D), dtype=jnp.float32)
    alpha = jax.random.normal(k4, (E, H), dtype=jnp.float32)
    index = jnp.sort(jax.random.randint(k5, (E,), 0, N_NODES, dtype=jnp.int32))
    return {"x": x, "att_l": att_l, "att_r": att_r, "alpha": alpha, "index": index}


def reference(x, att_l, att_r, alpha, index):
    # norm_x = ||x||^2 per (edge, head)
    norm_x = jnp.linalg.norm(x, axis=-1) ** 2  # [E, H]
    # scatter-max of norm_x into per-node slots (torch_scatter fills empty segments with 0)
    max_norm = jax.ops.segment_max(norm_x, index, num_segments=N_NODES)  # [N, H]
    max_norm = jnp.where(jnp.isfinite(max_norm), max_norm, 0.0)
    # faithful to torch: .view(-1, 1) then row-gather with index
    max_norm = max_norm.reshape(-1, 1)  # [N*H, 1]
    max_norm = jnp.sqrt(max_norm[index] + norm_x)  # [E,1] + [E,H] -> [E,H]
    # scale_individually=True branch
    norm_att = ATT_NORM * jnp.linalg.norm(jnp.concatenate((att_l, att_r), axis=-1), axis=-1)  # [1, H]
    alpha = alpha / (norm_att * max_norm + EPS)
    return alpha

if __name__ == "__main__":
    import jax
    _d = setup_inputs()
    print(jax.jit(kernel)(*tuple(_d.values())))

</pallas_src>

<mosaic_0001>
#map = affine_map<(d0, d1) -> (0)>
#map1 = affine_map<(d0, d1) -> (0, 0)>
module attributes {stable_mosaic.version = 14 : i64} {
  func.func @_gather_body(%arg0: i32, %arg1: i32, %arg2: memref<1600000xi32, #tpu.memory_space<hbm>>, %arg3: memref<100352xf32, #tpu.memory_space<hbm>>, %arg4: memref<1600000xf32, #tpu.memory_space<hbm>>, %arg5: memref<1600000xf32, #tpu.memory_space<hbm>>, %arg6: memref<1600000xf32, #tpu.memory_space<hbm>>, %arg7: memref<1600000xf32, #tpu.memory_space<hbm>>, %arg8: memref<50000x128xf32, #tpu.memory_space<hbm>>, %arg9: memref<100352xf32, #tpu.memory_space<vmem>>, %arg10: memref<1024xi32, #tpu.memory_space<vmem>>, %arg11: memref<1024xf32, #tpu.memory_space<vmem>>, %arg12: memref<1024xf32, #tpu.memory_space<vmem>>, %arg13: memref<1024xf32, #tpu.memory_space<vmem>>, %arg14: memref<1024xf32, #tpu.memory_space<vmem>>, %arg15: memref<32x128xf32, #tpu.memory_space<vmem>>) attributes {dimension_semantics = [#tpu.dimension_semantics<core_parallel>, #tpu.dimension_semantics<subcore_parallel>], iteration_bounds = array<i64: 2, 16>, scalar_prefetch = 0 : i64, scratch_operands = 7 : i64, tpu.core_type = #tpu.core_type<sc_vector_subcore>, window_params = [{transform_indices = #map}, {transform_indices = #map}, {transform_indices = #map}, {transform_indices = #map}, {transform_indices = #map}, {transform_indices = #map}, {transform_indices = #map1}]} {
    %mul3A = arith.constant 2 : i32
    %mul3A_0 = arith.muli %arg1, %mul3A : i32
    %add3A = arith.addi %mul3A_0, %arg0 : i32
    "tpu.region"() ({
      %run_scoped3A = tpu.sem_alloc : memref<!tpu.dma_semaphore, #tpu.memory_space<semaphore_mem>>
      tpu.enqueue_dma source(%arg3 : memref<100352xf32, #tpu.memory_space<hbm>>) target(%arg9 : memref<100352xf32, #tpu.memory_space<vmem>>) target_semaphore(%run_scoped3A : memref<!tpu.dma_semaphore, #tpu.memory_space<semaphore_mem>>)
      tpu.wait_dma2 semaphore(%run_scoped3A : memref<!tpu.dma_semaphore, #tpu.memory_space<semaphore_mem>>) src(%arg3 : memref<100352xf32, #tpu.memory_space<hbm>>) dst(%arg9 : memref<100352xf32, #tpu.memory_space<vmem>>)
      tpu.yield
    }) : () -> ()
    %mul3A_1 = arith.constant 195 : i32
    %mul3A_2 = arith.muli %add3A, %mul3A_1 : i32
    %min3A = arith.constant 10 : i32
    %min3A_3 = arith.minsi %add3A, %min3A : i32
    %add3A_4 = arith.addi %mul3A_2, %min3A_3 : i32
    %mul3A_5 = arith.constant 2 : i32
    %mul3A_6 = arith.muli %add3A_4, %mul3A_5 : i32
    %lt3A = arith.constant 10 : i32
    %lt3A_7 = arith.cmpi slt, %add3A, %lt3A : i32
    %jit3A = arith.constant 1 : i32
    %jit3A_8 = arith.constant 0 : i32
    %select_n3A = arith.select %lt3A_7, %jit3A, %jit3A_8 : i32
    %add3A_9 = arith.constant 195 : i32
    %add3A_10 = arith.addi %add3A_9, %select_n3A : i32
    %mul3A_11 = arith.constant 2 : i32
    %mul3A_12 = arith.muli %add3A_10, %mul3A_11 : i32
    %scan3A = arith.constant 0 : i32
    %scan3A_13 = arith.constant 0 : i32
    %scan3A_14 = arith.constant 49 : i32
    %scan3A_15 = arith.addi %scan3A_13, %scan3A_14 : i32
    %scan3A_16 = arith.constant 1 : i32
    %scan3A_17 = scf.for %scan3A_19 = %scan3A_13 to %scan3A_15 step %scan3A_16 iter_args(%scan3A_20 = %scan3A) -> (i32)  : i32 {
      %mul3A_21 = arith.constant 8 : i32
      %mul3A_22 = arith.muli %scan3A_19, %mul3A_21 : i32
      %add3A_23 = arith.addi %mul3A_6, %mul3A_22 : i32
      %add3A_24 = arith.addi %mul3A_6, %mul3A_12 : i32
      %sub3A = arith.constant 8 : i32
      %sub3A_25 = arith.subi %add3A_24, %sub3A : i32
      %min3A_26 = arith.minsi %add3A_23, %sub3A_25 : i32
      %mul3A_27 = arith.constant 128 : i32
      %mul3A_28 = arith.muli %min3A_26, %mul3A_27 : i32
      %multiple_of3A = tpu.assume_multiple %mul3A_28, 8 : i32
      "tpu.region"() ({
        %run_scoped3A = tpu.sem_alloc : memref<!tpu.dma_semaphore, #tpu.memory_space<semaphore_mem>>
        %dma_start3A = tpu.memref_slice %arg2[%multiple_of3A] : memref<1600000xi32, #tpu.memory_space<hbm>> -> memref<1024xi32, #tpu.memory_space<hbm>>
        %dma_start3A_89 = tpu.memref_slice %arg2[%multiple_of3A] : memref<1600000xi32, #tpu.memory_space<hbm>> -> memref<1024xi32, #tpu.memory_space<hbm>>
        tpu.enqueue_dma source(%dma_start3A_89 : memref<1024xi32, #tpu.memory_space<hbm>>) target(%arg10 : memref<1024xi32, #tpu.memory_space<vmem>>) target_semaphore(%run_scoped3A : memref<!tpu.dma_semaphore, #tpu.memory_space<semaphore_mem>>)
        %dma_wait3A = tpu.memref_slice %arg2[%multiple_of3A] : memref<1600000xi32, #tpu.memory_space<hbm>> -> memref<1024xi32, #tpu.memory_space<hbm>>
        %dma_wait3A_90 = tpu.memref_slice %arg2[%multiple_of3A] : memref<1600000xi32, #tpu.memory_space<hbm>> -> memref<1024xi32, #tpu.memory_space<hbm>>
        tpu.wait_dma2 semaphore(%run_scoped3A : memref<!tpu.dma_semaphore, #tpu.memory_space<semaphore_mem>>) src(%dma_wait3A_90 : memref<1024xi32, #tpu.memory_space<hbm>>) dst(%arg10 : memref<1024xi32, #tpu.memory_space<vmem>>)
        tpu.yield
      }) : () -> ()
      "tpu.region"() ({
        %run_scoped3A = tpu.sem_alloc : memref<!tpu.dma_semaphore, #tpu.memory_space<semaphore_mem>>
        %dma_start3A = tpu.memref_slice %arg4[%multiple_of3A] : memref<1600000xf32, #tpu.memory_space<hbm>> -> memref<1024xf32, #tpu.memory_space<hbm>>
        %dma_start3A_89 = tpu.memref_slice %arg4[%multiple_of3A] : memref<1600000xf32, #tpu.memory_space<hbm>> -> memref<1024xf32, #tpu.memory_space<hbm>>
        tpu.enqueue_dma source(%dma_start3A_89 : memref<1024xf32, #tpu.memory_space<hbm>>) target(%arg11 : memref<1024xf32, #tpu.memory_space<vmem>>) target_semaphore(%run_scoped3A : memref<!tpu.dma_semaphore, #tpu.memory_space<semaphore_mem>>)
        %dma_wait3A = tpu.memref_slice %arg4[%multiple_of3A] : memref<1600000xf32, #tpu.memory_space<hbm>> -> memref<1024xf32, #tpu.memory_space<hbm>>
        %dma_wait3A_90 = tpu.memref_slice %arg4[%multiple_of3A] : memref<1600000xf32, #tpu.memory_space<hbm>> -> memref<1024xf32, #tpu.memory_space<hbm>>
        tpu.wait_dma2 semaphore(%run_scoped3A : memref<!tpu.dma_semaphore, #tpu.memory_space<semaphore_mem>>) src(%dma_wait3A_90 : memref<1024xf32, #tpu.memory_space<hbm>>) dst(%arg11 : memref<1024xf32, #tpu.memory_space<vmem>>)
        tpu.yield
      }) : () -> ()
      "tpu.region"() ({
        %run_scoped3A = tpu.sem_alloc : memref<!tpu.dma_semaphore, #tpu.memory_space<semaphore_mem>>
        %dma_start3A = tpu.memref_slice %arg5[%multiple_of3A] : memref<1600000xf32, #tpu.memory_space<hbm>> -> memref<1024xf32, #tpu.memory_space<hbm>>
        %dma_start3A_89 = tpu.memref_slice %arg5[%multiple_of3A] : memref<1600000xf32, #tpu.memory_space<hbm>> -> memref<1024xf32, #tpu.memory_space<hbm>>
        tpu.enqueue_dma source(%dma_start3A_89 : memref<1024xf32, #tpu.memory_space<hbm>>) target(%arg12 : memref<1024xf32, #tpu.memory_space<vmem>>) target_semaphore(%run_scoped3A : memref<!tpu.dma_semaphore, #tpu.memory_space<semaphore_mem>>)
        %dma_wait3A = tpu.memref_slice %arg5[%multiple_of3A] : memref<1600000xf32, #tpu.memory_space<hbm>> -> memref<1024xf32, #tpu.memory_space<hbm>>
        %dma_wait3A_90 = tpu.memref_slice %arg5[%multiple_of3A] : memref<1600000xf32, #tpu.memory_space<hbm>> -> memref<1024xf32, #tpu.memory_space<hbm>>
        tpu.wait_dma2 semaphore(%run_scoped3A : memref<!tpu.dma_semaphore, #tpu.memory_space<semaphore_mem>>) src(%dma_wait3A_90 : memref<1024xf32, #tpu.memory_space<hbm>>) dst(%arg12 : memref<1024xf32, #tpu.memory_space<vmem>>)
        tpu.yield
      }) : () -> ()
      "tpu.region"() ({
        %run_scoped3A = tpu.sem_alloc : memref<!tpu.dma_semaphore, #tpu.memory_space<semaphore_mem>>
        %dma_start3A = tpu.memref_slice %arg6[%multiple_of3A] : memref<1600000xf32, #tpu.memory_space<hbm>> -> memref<1024xf32, #tpu.memory_space<hbm>>
        %dma_start3A_89 = tpu.memref_slice %arg6[%multiple_of3A] : memref<1600000xf32, #tpu.memory_space<hbm>> -> memref<1024xf32, #tpu.memory_space<hbm>>
        tpu.enqueue_dma source(%dma_start3A_89 : memref<1024xf32, #tpu.memory_space<hbm>>) target(%arg13 : memref<1024xf32, #tpu.memory_space<vmem>>) target_semaphore(%run_scoped3A : memref<!tpu.dma_semaphore, #tpu.memory_space<semaphore_mem>>)
        %dma_wait3A = tpu.memref_slice %arg6[%multiple_of3A] : memref<1600000xf32, #tpu.memory_space<hbm>> -> memref<1024xf32, #tpu.memory_space<hbm>>
        %dma_wait3A_90 = tpu.memref_slice %arg6[%multiple_of3A] : memref<1600000xf32, #tpu.memory_space<hbm>> -> memref<1024xf32, #tpu.memory_space<hbm>>
        tpu.wait_dma2 semaphore(%run_scoped3A : memref<!tpu.dma_semaphore, #tpu.memory_space<semaphore_mem>>) src(%dma_wait3A_90 : memref<1024xf32, #tpu.memory_space<hbm>>) dst(%arg13 : memref<1024xf32, #tpu.memory_space<vmem>>)
        tpu.yield
      }) : () -> ()
      "tpu.region"() ({
        %run_scoped3A = tpu.sem_alloc : memref<!tpu.dma_semaphore, #tpu.memory_space<semaphore_mem>>
        %dma_start3A = tpu.memref_slice %arg7[%multiple_of3A] : memref<1600000xf32, #tpu.memory_space<hbm>> -> memref<1024xf32, #tpu.memory_space<hbm>>
        %dma_start3A_89 = tpu.memref_slice %arg7[%multiple_of3A] : memref<1600000xf32, #tpu.memory_space<hbm>> -> memref<1024xf32, #tpu.memory_space<hbm>>
        tpu.enqueue_dma source(%dma_start3A_89 : memref<1024xf32, #tpu.memory_space<hbm>>) target(%arg14 : memref<1024xf32, #tpu.memory_space<vmem>>) target_semaphore(%run_scoped3A : memref<!tpu.dma_semaphore, #tpu.memory_space<semaphore_mem>>)
        %dma_wait3A = tpu.memref_slice %arg7[%multiple_of3A] : memref<1600000xf32, #tpu.memory_space<hbm>> -> memref<1024xf32, #tpu.memory_space<hbm>>
        %dma_wait3A_90 = tpu.memref_slice %arg7[%multiple_of3A] : memref<1600000xf32, #tpu.memory_space<hbm>> -> memref<1024xf32, #tpu.memory_space<hbm>>
        tpu.wait_dma2 semaphore(%run_scoped3A : memref<!tpu.dma_semaphore, #tpu.memory_space<semaphore_mem>>) src(%dma_wait3A_90 : memref<1024xf32, #tpu.memory_space<hbm>>) dst(%arg14 : memref<1024xf32, #tpu.memory_space<vmem>>)
        tpu.yield
      }) : () -> ()
      %scan3A_29 = arith.constant 0 : i32
      %scan3A_30 = arith.constant 0 : i32
      %scan3A_31 = arith.constant 8 : i32
      %scan3A_32 = arith.addi %scan3A_30, %scan3A_31 : i32
      %scan3A_33 = arith.constant 1 : i32
      %scan3A_34 = scf.for %scan3A_89 = %scan3A_30 to %scan3A_32 step %scan3A_33 iter_args(%scan3A_90 = %scan3A_29) -> (i32)  : i32 {
        %mul3A_91 = arith.constant 16 : i32
        %mul3A_92 = arith.muli %scan3A_89, %mul3A_91 : i32
        %add3A_93 = arith.constant 0 : i32
        %add3A_94 = arith.addi %add3A_93, %mul3A_92 : i32
        %multiple_of3A_95 = tpu.assume_multiple %add3A_94, 16 : i32
        %get3A = arith.index_cast %multiple_of3A_95 : i32 to index
        %get3A_96 = tpu.vector_load %arg10[%get3A] {strides = array<i32>} : memref<1024xi32, #tpu.memory_space<vmem>>, vector<16xi32>,
        %gather3A = tpu.vector_load_idx %arg9[%get3A_96] : memref<100352xf32, #tpu.memory_space<vmem>>[vector<16xi32>], vector<16xf32>,
        %mul3A_97 = arith.constant 16 : i32
        %mul3A_98 = arith.muli %scan3A_89, %mul3A_97 : i32
        %multiple_of3A_99 = tpu.assume_multiple %mul3A_98, 16 : i32
        %get3A_100 = arith.index_cast %multiple_of3A_95 : i32 to index
        %get3A_101 = tpu.vector_load %arg11[%get3A_100] {strides = array<i32>} : memref<1024xf32, #tpu.memory_space<vmem>>, vector<16xf32>,
        %add3A_102 = arith.addf %gather3A, %get3A_101 : vector<16xf32>
        %swap3A = arith.constant 0 : i32
        %swap3A_103 = arith.index_cast %swap3A : i32 to index
        %swap3A_104 = arith.index_cast %multiple_of3A_99 : i32 to index
        %swap3A_105 = tpu.vector_load %arg15[%swap3A_103, %swap3A_104] {strides = array<i32>} : memref<32x128xf32, #tpu.memory_space<vmem>>, vector<16xf32>,
        tpu.vector_store %arg15[%swap3A_103, %swap3A_104], %add3A_102 {strides = array<i32>} : memref<32x128xf32, #tpu.memory_space<vmem>>, vector<16xf32>,
        %get3A_106 = arith.index_cast %multiple_of3A_95 : i32 to index
        %get3A_107 = tpu.vector_load %arg12[%get3A_106] {strides = array<i32>} : memref<1024xf32, #tpu.memory_space<vmem>>, vector<16xf32>,
        %add3A_108 = arith.addf %gather3A, %get3A_107 : vector<16xf32>
        %swap3A_109 = arith.constant 1 : i32
        %swap3A_110 = arith.index_cast %swap3A_109 : i32 to index
        %swap3A_111 = arith.index_cast %multiple_of3A_99 : i32 to index
        %swap3A_112 = tpu.vector_load %arg15[%swap3A_110, %swap3A_111] {strides = array<i32>} : memref<32x128xf32, #tpu.memory_space<vmem>>, vector<16xf32>,
        tpu.vector_store %arg15[%swap3A_110, %swap3A_111], %add3A_108 {strides = array<i32>} : memref<32x128xf32, #tpu.memory_space<vmem>>, vector<16xf32>,
        %get3A_113 = arith.index_cast %multiple_of3A_95 : i32 to index
        %get3A_114 = tpu.vector_load %arg13[%get3A_113] {strides = array<i32>} : memref<1024xf32, #tpu.memory_space<vmem>>, vector<16xf32>,
        %add3A_115 = arith.addf %gather3A, %get3A_114 : vector<16xf32>
        %swap3A_116 = arith.constant 2 : i32
        %swap3A_117 = arith.index_cast %swap3A_116 : i32 to index
        %swap3A_118 = arith.index_cast %multiple_of3A_99 : i32 to index
        %swap3A_119 = tpu.vector_load %arg15[%swap3A_117, %swap3A_118] {strides = array<i32>} : memref<32x128xf32, #tpu.memory_space<vmem>>, vector<16xf32>,
        tpu.vector_store %arg15[%swap3A_117, %swap3A_118], %add3A_115 {strides = array<i32>} : memref<32x128xf32, #tpu.memory_space<vmem>>, vector<16xf32>,
        %get3A_120 = arith.index_cast %multiple_of3A_95 : i32 to index
        %get3A_121 = tpu.vector_load %arg14[%get3A_120] {strides = array<i32>} : memref<1024xf32, #tpu.memory_space<vmem>>, vector<16xf32>,
        %add3A_122 = arith.addf %gather3A, %get3A_121 : vector<16xf32>
        %swap3A_123 = arith.constant 3 : i32
        %swap3A_124 = arith.index_cast %swap3A_123 : i32 to index
        %swap3A_125 = arith.index_cast %multiple_of3A_99 : i32 to index
        %swap3A_126 = tpu.vector_load %arg15[%swap3A_124, %swap3A_125] {strides = array<i32>} : memref<32x128xf32, #tpu.memory_space<vmem>>, vector<16xf32>,
        tpu.vector_store %arg15[%swap3A_124, %swap3A_125], %add3A_122 {strides = array<i32>} : memref<32x128xf32, #tpu.memory_space<vmem>>, vector<16xf32>,
        %scan3A_127 = arith.constant 0 : i32
        scf.yield %scan3A_127 : i32
      }
      %scan3A_35 = arith.constant 8 : i32
      %scan3A_36 = arith.constant 0 : i32
      %scan3A_37 = arith.constant 0 : i32
      %scan3A_38 = arith.constant 8 : i32
      %scan3A_39 = arith.addi %scan3A_37, %scan3A_38 : i32
      %scan3A_40 = arith.constant 1 : i32
      %scan3A_41 = scf.for %scan3A_89 = %scan3A_37 to %scan3A_39 step %scan3A_40 iter_args(%scan3A_90 = %scan3A_36) -> (i32)  : i32 {
        %mul3A_91 = arith.constant 16 : i32
        %mul3A_92 = arith.muli %scan3A_89, %mul3A_91 : i32
        %add3A_93 = arith.constant 128 : i32
        %add3A_94 = arith.addi %add3A_93, %mul3A_92 : i32
        %multiple_of3A_95 = tpu.assume_multiple %add3A_94, 16 : i32
        %get3A = arith.index_cast %multiple_of3A_95 : i32 to index
        %get3A_96 = tpu.vector_load %arg10[%get3A] {strides = array<i32>} : memref<1024xi32, #tpu.memory_space<vmem>>, vector<16xi32>,
        %gather3A = tpu.vector_load_idx %arg9[%get3A_96] : memref<100352xf32, #tpu.memory_space<vmem>>[vector<16xi32>], vector<16xf32>,
        %mul3A_97 = arith.constant 16 : i32
        %mul3A_98 = arith.muli %scan3A_89, %mul3A_97 : i32
        %multiple_of3A_99 = tpu.assume_multiple %mul3A_98, 16 : i32
        %get3A_100 = arith.index_cast %multiple_of3A_95 : i32 to index
        %get3A_101 = tpu.vector_load %arg11[%get3A_100] {strides = array<i32>} : memref<1024xf32, #tpu.memory_space<vmem>>, vector<16xf32>,
        %add3A_102 = arith.addf %gather3A, %get3A_101 : vector<16xf32>
        %swap3A = arith.constant 4 : i32
        %swap3A_103 = arith.index_cast %swap3A : i32 to index
        %swap3A_104 = arith.index_cast %multiple_of3A_99 : i32 to index
        %swap3A_105 = tpu.vector_load %arg15[%swap3A_103, %swap3A_104] {strides = array<i32>} : memref<32x128xf32, #tpu.memory_space<vmem>>, vector<16xf32>,
        tpu.vector_store %arg15[%swap3A_103, %swap3A_104], %add3A_102 {strides = array<i32>} : memref<32x128xf32, #tpu.memory_space<vmem>>, vector<16xf32>,
        %get3A_106 = arith.index_cast %multiple_of3A_95 : i32 to index
        %get3A_107 = tpu.vector_load %arg12[%get3A_106] {strides = array<i32>} : memref<1024xf32, #tpu.memory_space<vmem>>, vector<16xf32>,
        %add3A_108 = arith.addf %gather3A, %get3A_107 : vector<16xf32>
        %swap3A_109 = arith.constant 5 : i32
        %swap3A_110 = arith.index_cast %swap3A_109 : i32 to index
        %swap3A_111 = arith.index_cast %multiple_of3A_99 : i32 to index
        %swap3A_112 = tpu.vector_load %arg15[%swap3A_110, %swap3A_111] {strides = array<i32>} : memref<32x128xf32, #tpu.memory_space<vmem>>, vector<16xf32>,
        tpu.vector_store %arg15[%swap3A_110, %swap3A_111], %add3A_108 {strides = array<i32>} : memref<32x128xf32, #tpu.memory_space<vmem>>, vector<16xf32>,
        %get3A_113 = arith.index_cast %multiple_of3A_95 : i32 to index
        %get3A_114 = tpu.vector_load %arg13[%get3A_113] {strides = array<i32>} : memref<1024xf32, #tpu.memory_space<vmem>>, vector<16xf32>,
        %add3A_115 = arith.addf %gather3A, %get3A_114 : vector<16xf32>
        %swap3A_116 = arith.constant 6 : i32
        %swap3A_117 = arith.index_cast %swap3A_116 : i32 to index
        %swap3A_118 = arith.index_cast %multiple_of3A_99 : i32 to index
        %swap3A_119 = tpu.vector_load %arg15[%swap3A_117, %swap3A_118] {strides = array<i32>} : memref<32x128xf32, #tpu.memory_space<vmem>>, vector<16xf32>,
        tpu.vector_store %arg15[%swap3A_117, %swap3A_118], %add3A_115 {strides = array<i32>} : memref<32x128xf32, #tpu.memory_space<vmem>>, vector<16xf32>,
        %get3A_120 = arith.index_cast %multiple_of3A_95 : i32 to index
        %get3A_121 = tpu.vector_load %arg14[%get3A_120] {strides = array<i32>} : memref<1024xf32, #tpu.memory_space<vmem>>, vector<16xf32>,
        %add3A_122 = arith.addf %gather3A, %get3A_121 : vector<16xf32>
        %swap3A_123 = arith.constant 7 : i32
        %swap3A_124 = arith.index_cast %swap3A_123 : i32 to index
        %swap3A_125 = arith.index_cast %multiple_of3A_99 : i32 to index
        %swap3A_126 = tpu.vector_load %arg15[%swap3A_124, %swap3A_125] {strides = array<i32>} : memref<32x128xf32, #tpu.memory_space<vmem>>, vector<16xf32>,
        tpu.vector_store %arg15[%swap3A_124, %swap3A_125], %add3A_122 {strides = array<i32>} : memref<32x128xf32, #tpu.memory_space<vmem>>, vector<16xf32>,
        %scan3A_127 = arith.constant 0 : i32
        scf.yield %scan3A_127 : i32
      }
      %scan3A_42 = arith.constant 8 : i32
      %scan3A_43 = arith.constant 0 : i32
      %scan3A_44 = arith.constant 0 : i32
      %scan3A_45 = arith.constant 8 : i32
      %scan3A_46 = arith.addi %scan3A_44, %scan3A_45 : i32
      %scan3A_47 = arith.constant 1 : i32
      %scan3A_48 = scf.for %scan3A_89 = %scan3A_44 to %scan3A_46 step %scan3A_47 iter_args(%scan3A_90 = %scan3A_43) -> (i32)  : i32 {
        %mul3A_91 = arith.constant 16 : i32
        %mul3A_92 = arith.muli %scan3A_89, %mul3A_91 : i32
        %add3A_93 = arith.constant 256 : i32
        %add3A_94 = arith.addi %add3A_93, %mul3A_92 : i32
        %multiple_of3A_95 = tpu.assume_multiple %add3A_94, 16 : i32
        %get3A = arith.index_cast %multiple_of3A_95 : i32 to index
        %get3A_96 = tpu.vector_load %arg10[%get3A] {strides = array<i32>} : memref<1024xi32, #tpu.memory_space<vmem>>, vector<16xi32>,
        %gather3A = tpu.vector_load_idx %arg9[%get3A_96] : memref<100352xf32, #tpu.memory_space<vmem>>[vector<16xi32>], vector<16xf32>,
        %mul3A_97 = arith.constant 16 : i32
        %mul3A_98 = arith.muli %scan3A_89, %mul3A_97 : i32
        %multiple_of3A_99 = tpu.assume_multiple %mul3A_98, 16 : i32
        %get3A_100 = arith.index_cast %multiple_of3A_95 : i32 to index
        %get3A_101 = tpu.vector_load %arg11[%get3A_100] {strides = array<i32>} : memref<1024xf32, #tpu.memory_space<vmem>>, vector<16xf32>,
        %add3A_102 = arith.addf %gather3A, %get3A_101 : vector<16xf32>
        %swap3A = arith.constant 8 : i32
        %swap3A_103 = arith.index_cast %swap3A : i32 to index
        %swap3A_104 = arith.index_cast %multiple_of3A_99 : i32 to index
        %swap3A_105 = tpu.vector_load %arg15[%swap3A_103, %swap3A_104] {strides = array<i32>} : memref<32x128xf32, #tpu.memory_space<vmem>>, vector<16xf32>,
        tpu.vector_store %arg15[%swap3A_103, %swap3A_104], %add3A_102 {strides = array<i32>} : memref<32x128xf32, #tpu.memory_space<vmem>>, vector<16xf32>,
        %get3A_106 = arith.index_cast %multiple_of3A_95 : i32 to index
        %get3A_107 = tpu.vector_load %arg12[%get3A_106] {strides = array<i32>} : memref<1024xf32, #tpu.memory_space<vmem>>, vector<16xf32>,
        %add3A_108 = arith.addf %gather3A, %get3A_107 : vector<16xf32>
        %swap3A_109 = arith.constant 9 : i32
        %swap3A_110 = arith.index_cast %swap3A_109 : i32 to index
        %swap3A_111 = arith.index_cast %multiple_of3A_99 : i32 to index
        %swap3A_112 = tpu.vector_load %arg15[%swap3A_110, %swap3A_111] {strides = array<i32>} : memref<32x128xf32, #tpu.memory_space<vmem>>, vector<16xf32>,
        tpu.vector_store %arg15[%swap3A_110, %swap3A_111], %add3A_108 {strides = array<i32>} : memref<32x128xf32, #tpu.memory_space<vmem>>, vector<16xf32>,
        %get3A_113 = arith.index_cast %multiple_of3A_95 : i32 to index
        %get3A_114 = tpu.vector_load %arg13[%get3A_113] {strides = array<i32>} : memref<1024xf32, #tpu.memory_space<vmem>>, vector<16xf32>,
        %add3A_115 = arith.addf %gather3A, %get3A_114 : vector<16xf32>
        %swap3A_116 = arith.constant 10 : i32
        %swap3A_117 = arith.index_cast %swap3A_116 : i32 to index
        %swap3A_118 = arith.index_cast %multiple_of3A_99 : i32 to index
        %swap3A_119 = tpu.vector_load %arg15[%swap3A_117, %swap3A_118] {strides = array<i32>} : memref<32x128xf32, #tpu.memory_space<vmem>>, vector<16xf32>,
        tpu.vector_store %arg15[%swap3A_117, %swap3A_118], %add3A_115 {strides = array<i32>} : memref<32x128xf32, #tpu.memory_space<vmem>>, vector<16xf32>,
        %get3A_120 = arith.index_cast %multiple_of3A_95 : i32 to index
        %get3A_121 = tpu.vector_load %arg14[%get3A_120] {strides = array<i32>} : memref<1024xf32, #tpu.memory_space<vmem>>, vector<16xf32>,
        %add3A_122 = arith.addf %gather3A, %get3A_121 : vector<16xf32>
        %swap3A_123 = arith.constant 11 : i32
        %swap3A_124 = arith.index_cast %swap3A_123 : i32 to index
        %swap3A_125 = arith.index_cast %multiple_of3A_99 : i32 to index
        %swap3A_126 = tpu.vector_load %arg15[%swap3A_124, %swap3A_125] {strides = array<i32>} : memref<32x128xf32, #tpu.memory_space<vmem>>, vector<16xf32>,
        tpu.vector_store %arg15[%swap3A_124, %swap3A_125], %add3A_122 {strides = array<i32>} : memref<32x128xf32, #tpu.memory_space<vmem>>, vector<16xf32>,
        %scan3A_127 = arith.constant 0 : i32
        scf.yield %scan3A_127 : i32
      }
      %scan3A_49 = arith.constant 8 : i32
      %scan3A_50 = arith.constant 0 : i32
      %scan3A_51 = arith.constant 0 : i32
      %scan3A_52 = arith.constant 8 : i32
      %scan3A_53 = arith.addi %scan3A_51, %scan3A_52 : i32
      %scan3A_54 = arith.constant 1 : i32
      %scan3A_55 = scf.for %scan3A_89 = %scan3A_51 to %scan3A_53 step %scan3A_54 iter_args(%scan3A_90 = %scan3A_50) -> (i32)  : i32 {
        %mul3A_91 = arith.constant 16 : i32
        %mul3A_92 = arith.muli %scan3A_89, %mul3A_91 : i32
        %add3A_93 = arith.constant 384 : i32
        %add3A_94 = arith.addi %add3A_93, %mul3A_92 : i32
        %multiple_of3A_95 = tpu.assume_multiple %add3A_94, 16 : i32
        %get3A = arith.index_cast %multiple_of3A_95 : i32 to index
        %get3A_96 = tpu.vector_load %arg10[%get3A] {strides = array<i32>} : memref<1024xi32, #tpu.memory_space<vmem>>, vector<16xi32>,
        %gather3A = tpu.vector_load_idx %arg9[%get3A_96] : memref<100352xf32, #tpu.memory_space<vmem>>[vector<16xi32>], vector<16xf32>,
        %mul3A_97 = arith.constant 16 : i32
        %mul3A_98 = arith.muli %scan3A_89, %mul3A_97 : i32
        %multiple_of3A_99 = tpu.assume_multiple %mul3A_98, 16 : i32
        %get3A_100 = arith.index_cast %multiple_of3A_95 : i32 to index
        %get3A_101 = tpu.vector_load %arg11[%get3A_100] {strides = array<i32>} : memref<1024xf32, #tpu.memory_space<vmem>>, vector<16xf32>,
        %add3A_102 = arith.addf %gather3A, %get3A_101 : vector<16xf32>
        %swap3A = arith.constant 12 : i32
        %swap3A_103 = arith.index_cast %swap3A : i32 to index
        %swap3A_104 = arith.index_cast %multiple_of3A_99 : i32 to index
        %swap3A_105 = tpu.vector_load %arg15[%swap3A_103, %swap3A_104] {strides = array<i32>} : memref<32x128xf32, #tpu.memory_space<vmem>>, vector<16xf32>,
        tpu.vector_store %arg15[%swap3A_103, %swap3A_104], %add3A_102 {strides = array<i32>} : memref<32x128xf32, #tpu.memory_space<vmem>>, vector<16xf32>,
        %get3A_106 = arith.index_cast %multiple_of3A_95 : i32 to index
        %get3A_107 = tpu.vector_load %arg12[%get3A_106] {strides = array<i32>} : memref<1024xf32, #tpu.memory_space<vmem>>, vector<16xf32>,
        %add3A_108 = arith.addf %gather3A, %get3A_107 : vector<16xf32>
        %swap3A_109 = arith.constant 13 : i32
        %swap3A_110 = arith.index_cast %swap3A_109 : i32 to index
        %swap3A_111 = arith.index_cast %multiple_of3A_99 : i32 to index
        %swap3A_112 = tpu.vector_load %arg15[%swap3A_110, %swap3A_111] {strides = array<i32>} : memref<32x128xf32, #tpu.memory_space<vmem>>, vector<16xf32>,
        tpu.vector_store %arg15[%swap3A_110, %swap3A_111], %add3A_108 {strides = array<i32>} : memref<32x128xf32, #tpu.memory_space<vmem>>, vector<16xf32>,
        %get3A_113 = arith.index_cast %multiple_of3A_95 : i32 to index
        %get3A_114 = tpu.vector_load %arg13[%get3A_113] {strides = array<i32>} : memref<1024xf32, #tpu.memory_space<vmem>>, vector<16xf32>,
        %add3A_115 = arith.addf %gather3A, %get3A_114 : vector<16xf32>
        %swap3A_116 = arith.constant 14 : i32
        %swap3A_117 = arith.index_cast %swap3A_116 : i32 to index
        %swap3A_118 = arith.index_cast %multiple_of3A_99 : i32 to index
        %swap3A_119 = tpu.vector_load %arg15[%swap3A_117, %swap3A_118] {strides = array<i32>} : memref<32x128xf32, #tpu.memory_space<vmem>>, vector<16xf32>,
        tpu.vector_store %arg15[%swap3A_117, %swap3A_118], %add3A_115 {strides = array<i32>} : memref<32x128xf32, #tpu.memory_space<vmem>>, vector<16xf32>,
        %get3A_120 = arith.index_cast %multiple_of3A_95 : i32 to index
        %get3A_121 = tpu.vector_load %arg14[%get3A_120] {strides = array<i32>} : memref<1024xf32, #tpu.memory_space<vmem>>, vector<16xf32>,
        %add3A_122 = arith.addf %gather3A, %get3A_121 : vector<16xf32>
        %swap3A_123 = arith.constant 15 : i32
        %swap3A_124 = arith.index_cast %swap3A_123 : i32 to index
        %swap3A_125 = arith.index_cast %multiple_of3A_99 : i32 to index
        %swap3A_126 = tpu.vector_load %arg15[%swap3A_124, %swap3A_125] {strides = array<i32>} : memref<32x128xf32, #tpu.memory_space<vmem>>, vector<16xf32>,
        tpu.vector_store %arg15[%swap3A_124, %swap3A_125], %add3A_122 {strides = array<i32>} : memref<32x128xf32, #tpu.memory_space<vmem>>, vector<16xf32>,
        %scan3A_127 = arith.constant 0 : i32
        scf.yield %scan3A_127 : i32
      }
      %scan3A_56 = arith.constant 8 : i32
      %scan3A_57 = arith.constant 0 : i32
      %scan3A_58 = arith.constant 0 : i32
      %scan3A_59 = arith.constant 8 : i32
      %scan3A_60 = arith.addi %scan3A_58, %scan3A_59 : i32
      %scan3A_61 = arith.constant 1 : i32
      %scan3A_62 = scf.for %scan3A_89 = %scan3A_58 to %scan3A_60 step %scan3A_61 iter_args(%scan3A_90 = %scan3A_57) -> (i32)  : i32 {
        %mul3A_91 = arith.constant 16 : i32
        %mul3A_92 = arith.muli %scan3A_89, %mul3A_91 : i32
        %add3A_93 = arith.constant 512 : i32
        %add3A_94 = arith.addi %add3A_93, %mul3A_92 : i32
        %multiple_of3A_95 = tpu.assume_multiple %add3A_94, 16 : i32
        %get3A = arith.index_cast %multiple_of3A_95 : i32 to index
        %get3A_96 = tpu.vector_load %arg10[%get3A] {strides = array<i32>} : memref<1024xi32, #tpu.memory_space<vmem>>, vector<16xi32>,
        %gather3A = tpu.vector_load_idx %arg9[%get3A_96] : memref<100352xf32, #tpu.memory_space<vmem>>[vector<16xi32>], vector<16xf32>,
        %mul3A_97 = arith.constant 16 : i32
        %mul3A_98 = arith.muli %scan3A_89, %mul3A_97 : i32
        %multiple_of3A_99 = tpu.assume_multiple %mul3A_98, 16 : i32
        %get3A_100 = arith.index_cast %multiple_of3A_95 : i32 to index
        %get3A_101 = tpu.vector_load %arg11[%get3A_100] {strides = array<i32>} : memref<1024xf32, #tpu.memory_space<vmem>>, vector<16xf32>,
        %add3A_102 = arith.addf %gather3A, %get3A_101 : vector<16xf32>
        %swap3A = arith.constant 16 : i32
        %swap3A_103 = arith.index_cast %swap3A : i32 to index
        %swap3A_104 = arith.index_cast %multiple_of3A_99 : i32 to index
        %swap3A_105 = tpu.vector_load %arg15[%swap3A_103, %swap3A_104] {strides = array<i32>} : memref<32x128xf32, #tpu.memory_space<vmem>>, vector<16xf32>,
        tpu.vector_store %arg15[%swap3A_103, %swap3A_104], %add3A_102 {strides = array<i32>} : memref<32x128xf32, #tpu.memory_space<vmem>>, vector<16xf32>,
        %get3A_106 = arith.index_cast %multiple_of3A_95 : i32 to index
        %get3A_107 = tpu.vector_load %arg12[%get3A_106] {strides = array<i32>} : memref<1024xf32, #tpu.memory_space<vmem>>, vector<16xf32>,
        %add3A_108 = arith.addf %gather3A, %get3A_107 : vector<16xf32>
        %swap3A_109 = arith.constant 17 : i32
        %swap3A_110 = arith.index_cast %swap3A_109 : i32 to index
        %swap3A_111 = arith.index_cast %multiple_of3A_99 : i32 to index
        %swap3A_112 = tpu.vector_load %arg15[%swap3A_110, %swap3A_111] {strides = array<i32>} : memref<32x128xf32, #tpu.memory_space<vmem>>, vector<16xf32>,
        tpu.vector_store %arg15[%swap3A_110, %swap3A_111], %add3A_108 {strides = array<i32>} : memref<32x128xf32, #tpu.memory_space<vmem>>, vector<16xf32>,
        %get3A_113 = arith.index_cast %multiple_of3A_95 : i32 to index
        %get3A_114 = tpu.vector_load %arg13[%get3A_113] {strides = array<i32>} : memref<1024xf32, #tpu.memory_space<vmem>>, vector<16xf32>,
        %add3A_115 = arith.addf %gather3A, %get3A_114 : vector<16xf32>
        %swap3A_116 = arith.constant 18 : i32
        %swap3A_117 = arith.index_cast %swap3A_116 : i32 to index
        %swap3A_118 = arith.index_cast %multiple_of3A_99 : i32 to index
        %swap3A_119 = tpu.vector_load %arg15[%swap3A_117, %swap3A_118] {strides = array<i32>} : memref<32x128xf32, #tpu.memory_space<vmem>>, vector<16xf32>,
        tpu.vector_store %arg15[%swap3A_117, %swap3A_118], %add3A_115 {strides = array<i32>} : memref<32x128xf32, #tpu.memory_space<vmem>>, vector<16xf32>,
        %get3A_120 = arith.index_cast %multiple_of3A_95 : i32 to index
        %get3A_121 = tpu.vector_load %arg14[%get3A_120] {strides = array<i32>} : memref<1024xf32, #tpu.memory_space<vmem>>, vector<16xf32>,
        %add3A_122 = arith.addf %gather3A, %get3A_121 : vector<16xf32>
        %swap3A_123 = arith.constant 19 : i32
        %swap3A_124 = arith.index_cast %swap3A_123 : i32 to index
        %swap3A_125 = arith.index_cast %multiple_of3A_99 : i32 to index
        %swap3A_126 = tpu.vector_load %arg15[%swap3A_124, %swap3A_125] {strides = array<i32>} : memref<32x128xf32, #tpu.memory_space<vmem>>, vector<16xf32>,
        tpu.vector_store %arg15[%swap3A_124, %swap3A_125], %add3A_122 {strides = array<i32>} : memref<32x128xf32, #tpu.memory_space<vmem>>, vector<16xf32>,
        %scan3A_127 = arith.constant 0 : i32
        scf.yield %scan3A_127 : i32
      }
      %scan3A_63 = arith.constant 8 : i32
      %scan3A_64 = arith.constant 0 : i32
      %scan3A_65 = arith.constant 0 : i32
      %scan3A_66 = arith.constant 8 : i32
      %scan3A_67 = arith.addi %scan3A_65, %scan3A_66 : i32
      %scan3A_68 = arith.constant 1 : i32
      %scan3A_69 = scf.for %scan3A_89 = %scan3A_65 to %scan3A_67 step %scan3A_68 iter_args(%scan3A_90 = %scan3A_64) -> (i32)  : i32 {
        %mul3A_91 = arith.constant 16 : i32
        %mul3A_92 = arith.muli %scan3A_89, %mul3A_91 : i32
        %add3A_93 = arith.constant 640 : i32
        %add3A_94 = arith.addi %add3A_93, %mul3A_92 : i32
        %multiple_of3A_95 = tpu.assume_multiple %add3A_94, 16 : i32
        %get3A = arith.index_cast %multiple_of3A_95 : i32 to index
        %get3A_96 = tpu.vector_load %arg10[%get3A] {strides = array<i32>} : memref<1024xi32, #tpu.memory_space<vmem>>, vector<16xi32>,
        %gather3A = tpu.vector_load_idx %arg9[%get3A_96] : memref<100352xf32, #tpu.memory_space<vmem>>[vector<16xi32>], vector<16xf32>,
        %mul3A_97 = arith.constant 16 : i32
        %mul3A_98 = arith.muli %scan3A_89, %mul3A_97 : i32
        %multiple_of3A_99 = tpu.assume_multiple %mul3A_98, 16 : i32
        %get3A_100 = arith.index_cast %multiple_of3A_95 : i32 to index
        %get3A_101 = tpu.vector_load %arg11[%get3A_100] {strides = array<i32>} : memref<1024xf32, #tpu.memory_space<vmem>>, vector<16xf32>,
        %add3A_102 = arith.addf %gather3A, %get3A_101 : vector<16xf32>
        %swap3A = arith.constant 20 : i32
        %swap3A_103 = arith.index_cast %swap3A : i32 to index
        %swap3A_104 = arith.index_cast %multiple_of3A_99 : i32 to index
        %swap3A_105 = tpu.vector_load %arg15[%swap3A_103, %swap3A_104] {strides = array<i32>} : memref<32x128xf32, #tpu.memory_space<vmem>>, vector<16xf32>,
        tpu.vector_store %arg15[%swap3A_103, %swap3A_104], %add3A_102 {strides = array<i32>} : memref<32x128xf32, #tpu.memory_space<vmem>>, vector<16xf32>,
        %get3A_106 = arith.index_cast %multiple_of3A_95 : i32 to index
        %get3A_107 = tpu.vector_load %arg12[%get3A_106] {strides = array<i32>} : memref<1024xf32, #tpu.memory_space<vmem>>, vector<16xf32>,
        %add3A_108 = arith.addf %gather3A, %get3A_107 : vector<16xf32>
        %swap3A_109 = arith.constant 21 : i32
        %swap3A_110 = arith.index_cast %swap3A_109 : i32 to index
        %swap3A_111 = arith.index_cast %multiple_of3A_99 : i32 to index
        %swap3A_112 = tpu.vector_load %arg15[%swap3A_110, %swap3A_111] {strides = array<i32>} : memref<32x128xf32, #tpu.memory_space<vmem>>, vector<16xf32>,
        tpu.vector_store %arg15[%swap3A_110, %swap3A_111], %add3A_108 {strides = array<i32>} : memref<32x128xf32, #tpu.memory_space<vmem>>, vector<16xf32>,
        %get3A_113 = arith.index_cast %multiple_of3A_95 : i32 to index
        %get3A_114 = tpu.vector_load %arg13[%get3A_113] {strides = array<i32>} : memref<1024xf32, #tpu.memory_space<vmem>>, vector<16xf32>,
        %add3A_115 = arith.addf %gather3A, %get3A_114 : vector<16xf32>
        %swap3A_116 = arith.constant 22 : i32
        %swap3A_117 = arith.index_cast %swap3A_116 : i32 to index
        %swap3A_118 = arith.index_cast %multiple_of3A_99 : i32 to index
        %swap3A_119 = tpu.vector_load %arg15[%swap3A_117, %swap3A_118] {strides = array<i32>} : memref<32x128xf32, #tpu.memory_space<vmem>>, vector<16xf32>,
        tpu.vector_store %arg15[%swap3A_117, %swap3A_118], %add3A_115 {strides = array<i32>} : memref<32x128xf32, #tpu.memory_space<vmem>>, vector<16xf32>,
        %get3A_120 = arith.index_cast %multiple_of3A_95 : i32 to index
        %get3A_121 = tpu.vector_load %arg14[%get3A_120] {strides = array<i32>} : memref<1024xf32, #tpu.memory_space<vmem>>, vector<16xf32>,
        %add3A_122 = arith.addf %gather3A, %get3A_121 : vector<16xf32>
        %swap3A_123 = arith.constant 23 : i32
        %swap3A_124 = arith.index_cast %swap3A_123 : i32 to index
        %swap3A_125 = arith.index_cast %multiple_of3A_99 : i32 to index
        %swap3A_126 = tpu.vector_load %arg15[%swap3A_124, %swap3A_125] {strides = array<i32>} : memref<32x128xf32, #tpu.memory_space<vmem>>, vector<16xf32>,
        tpu.vector_store %arg15[%swap3A_124, %swap3A_125], %add3A_122 {strides = array<i32>} : memref<32x128xf32, #tpu.memory_space<vmem>>, vector<16xf32>,
        %scan3A_127 = arith.constant 0 : i32
        scf.yield %scan3A_127 : i32
      }
      %scan3A_70 = arith.constant 8 : i32
      %scan3A_71 = arith.constant 0 : i32
      %scan3A_72 = arith.constant 0 : i32
      %scan3A_73 = arith.constant 8 : i32
      %scan3A_74 = arith.addi %scan3A_72, %scan3A_73 : i32
      %scan3A_75 = arith.constant 1 : i32
      %scan3A_76 = scf.for %scan3A_89 = %scan3A_72 to %scan3A_74 step %scan3A_75 iter_args(%scan3A_90 = %scan3A_71) -> (i32)  : i32 {
        %mul3A_91 = arith.constant 16 : i32
        %mul3A_92 = arith.muli %scan3A_89, %mul3A_91 : i32
        %add3A_93 = arith.constant 768 : i32
        %add3A_94 = arith.addi %add3A_93, %mul3A_92 : i32
        %multiple_of3A_95 = tpu.assume_multiple %add3A_94, 16 : i32
        %get3A = arith.index_cast %multiple_of3A_95 : i32 to index
        %get3A_96 = tpu.vector_load %arg10[%get3A] {strides = array<i32>} : memref<1024xi32, #tpu.memory_space<vmem>>, vector<16xi32>,
        %gather3A = tpu.vector_load_idx %arg9[%get3A_96] : memref<100352xf32, #tpu.memory_space<vmem>>[vector<16xi32>], vector<16xf32>,
        %mul3A_97 = arith.constant 16 : i32
        %mul3A_98 = arith.muli %scan3A_89, %mul3A_97 : i32
        %multiple_of3A_99 = tpu.assume_multiple %mul3A_98, 16 : i32
        %get3A_100 = arith.index_cast %multiple_of3A_95 : i32 to index
        %get3A_101 = tpu.vector_load %arg11[%get3A_100] {strides = array<i32>} : memref<1024xf32, #tpu.memory_space<vmem>>, vector<16xf32>,
        %add3A_102 = arith.addf %gather3A, %get3A_101 : vector<16xf32>
        %swap3A = arith.constant 24 : i32
        %swap3A_103 = arith.index_cast %swap3A : i32 to index
        %swap3A_104 = arith.index_cast %multiple_of3A_99 : i32 to index
        %swap3A_105 = tpu.vector_load %arg15[%swap3A_103, %swap3A_104] {strides = array<i32>} : memref<32x128xf32, #tpu.memory_space<vmem>>, vector<16xf32>,
        tpu.vector_store %arg15[%swap3A_103, %swap3A_104], %add3A_102 {strides = array<i32>} : memref<32x128xf32, #tpu.memory_space<vmem>>, vector<16xf32>,
        %get3A_106 = arith.index_cast %multiple_of3A_95 : i32 to index
        %get3A_107 = tpu.vector_load %arg12[%get3A_106] {strides = array<i32>} : memref<1024xf32, #tpu.memory_space<vmem>>, vector<16xf32>,
        %add3A_108 = arith.addf %gather3A, %get3A_107 : vector<16xf32>
        %swap3A_109 = arith.constant 25 : i32
        %swap3A_110 = arith.index_cast %swap3A_109 : i32 to index
        %swap3A_111 = arith.index_cast %multiple_of3A_99 : i32 to index
        %swap3A_112 = tpu.vector_load %arg15[%swap3A_110, %swap3A_111] {strides = array<i32>} : memref<32x128xf32, #tpu.memory_space<vmem>>, vector<16xf32>,
        tpu.vector_store %arg15[%swap3A_110, %swap3A_111], %add3A_108 {strides = array<i32>} : memref<32x128xf32, #tpu.memory_space<vmem>>, vector<16xf32>,
        %get3A_113 = arith.index_cast %multiple_of3A_95 : i32 to index
        %get3A_114 = tpu.vector_load %arg13[%get3A_113] {strides = array<i32>} : memref<1024xf32, #tpu.memory_space<vmem>>, vector<16xf32>,
        %add3A_115 = arith.addf %gather3A, %get3A_114 : vector<16xf32>
        %swap3A_116 = arith.constant 26 : i32
        %swap3A_117 = arith.index_cast %swap3A_116 : i32 to index
        %swap3A_118 = arith.index_cast %multiple_of3A_99 : i32 to index
        %swap3A_119 = tpu.vector_load %arg15[%swap3A_117, %swap3A_118] {strides = array<i32>} : memref<32x128xf32, #tpu.memory_space<vmem>>, vector<16xf32>,
        tpu.vector_store %arg15[%swap3A_117, %swap3A_118], %add3A_115 {strides = array<i32>} : memref<32x128xf32, #tpu.memory_space<vmem>>, vector<16xf32>,
        %get3A_120 = arith.index_cast %multiple_of3A_95 : i32 to index
        %get3A_121 = tpu.vector_load %arg14[%get3A_120] {strides = array<i32>} : memref<1024xf32, #tpu.memory_space<vmem>>, vector<16xf32>,
        %add3A_122 = arith.addf %gather3A, %get3A_121 : vector<16xf32>
        %swap3A_123 = arith.constant 27 : i32
        %swap3A_124 = arith.index_cast %swap3A_123 : i32 to index
        %swap3A_125 = arith.index_cast %multiple_of3A_99 : i32 to index
        %swap3A_126 = tpu.vector_load %arg15[%swap3A_124, %swap3A_125] {strides = array<i32>} : memref<32x128xf32, #tpu.memory_space<vmem>>, vector<16xf32>,
        tpu.vector_store %arg15[%swap3A_124, %swap3A_125], %add3A_122 {strides = array<i32>} : memref<32x128xf32, #tpu.memory_space<vmem>>, vector<16xf32>,
        %scan3A_127 = arith.constant 0 : i32
        scf.yield %scan3A_127 : i32
      }
      %scan3A_77 = arith.constant 8 : i32
      %scan3A_78 = arith.constant 0 : i32
      %scan3A_79 = arith.constant 0 : i32
      %scan3A_80 = arith.constant 8 : i32
      %scan3A_81 = arith.addi %scan3A_79, %scan3A_80 : i32
      %scan3A_82 = arith.constant 1 : i32
      %scan3A_83 = scf.for %scan3A_89 = %scan3A_79 to %scan3A_81 step %scan3A_82 iter_args(%scan3A_90 = %scan3A_78) -> (i32)  : i32 {
        %mul3A_91 = arith.constant 16 : i32
        %mul3A_92 = arith.muli %scan3A_89, %mul3A_91 : i32
        %add3A_93 = arith.constant 896 : i32
        %add3A_94 = arith.addi %add3A_93, %mul3A_92 : i32
        %multiple_of3A_95 = tpu.assume_multiple %add3A_94, 16 : i32
        %get3A = arith.index_cast %multiple_of3A_95 : i32 to index
        %get3A_96 = tpu.vector_load %arg10[%get3A] {strides = array<i32>} : memref<1024xi32, #tpu.memory_space<vmem>>, vector<16xi32>,
        %gather3A = tpu.vector_load_idx %arg9[%get3A_96] : memref<100352xf32, #tpu.memory_space<vmem>>[vector<16xi32>], vector<16xf32>,
        %mul3A_97 = arith.constant 16 : i32
        %mul3A_98 = arith.muli %scan3A_89, %mul3A_97 : i32
        %multiple_of3A_99 = tpu.assume_multiple %mul3A_98, 16 : i32
        %get3A_100 = arith.index_cast %multiple_of3A_95 : i32 to index
        %get3A_101 = tpu.vector_load %arg11[%get3A_100] {strides = array<i32>} : memref<1024xf32, #tpu.memory_space<vmem>>, vector<16xf32>,
        %add3A_102 = arith.addf %gather3A, %get3A_101 : vector<16xf32>
        %swap3A = arith.constant 28 : i32
        %swap3A_103 = arith.index_cast %swap3A : i32 to index
        %swap3A_104 = arith.index_cast %multiple_of3A_99 : i32 to index
        %swap3A_105 = tpu.vector_load %arg15[%swap3A_103, %swap3A_104] {strides = array<i32>} : memref<32x128xf32, #tpu.memory_space<vmem>>, vector<16xf32>,
        tpu.vector_store %arg15[%swap3A_103, %swap3A_104], %add3A_102 {strides = array<i32>} : memref<32x128xf32, #tpu.memory_space<vmem>>, vector<16xf32>,
        %get3A_106 = arith.index_cast %multiple_of3A_95 : i32 to index
        %get3A_107 = tpu.vector_load %arg12[%get3A_106] {strides = array<i32>} : memref<1024xf32, #tpu.memory_space<vmem>>, vector<16xf32>,
        %add3A_108 = arith.addf %gather3A, %get3A_107 : vector<16xf32>
        %swap3A_109 = arith.constant 29 : i32
        %swap3A_110 = arith.index_cast %swap3A_109 : i32 to index
        %swap3A_111 = arith.index_cast %multiple_of3A_99 : i32 to index
        %swap3A_112 = tpu.vector_load %arg15[%swap3A_110, %swap3A_111] {strides = array<i32>} : memref<32x128xf32, #tpu.memory_space<vmem>>, vector<16xf32>,
        tpu.vector_store %arg15[%swap3A_110, %swap3A_111], %add3A_108 {strides = array<i32>} : memref<32x128xf32, #tpu.memory_space<vmem>>, vector<16xf32>,
        %get3A_113 = arith.index_cast %multiple_of3A_95 : i32 to index
        %get3A_114 = tpu.vector_load %arg13[%get3A_113] {strides = array<i32>} : memref<1024xf32, #tpu.memory_space<vmem>>, vector<16xf32>,
        %add3A_115 = arith.addf %gather3A, %get3A_114 : vector<16xf32>
        %swap3A_116 = arith.constant 30 : i32
        %swap3A_117 = arith.index_cast %swap3A_116 : i32 to index
        %swap3A_118 = arith.index_cast %multiple_of3A_99 : i32 to index
        %swap3A_119 = tpu.vector_load %arg15[%swap3A_117, %swap3A_118] {strides = array<i32>} : memref<32x128xf32, #tpu.memory_space<vmem>>, vector<16xf32>,
        tpu.vector_store %arg15[%swap3A_117, %swap3A_118], %add3A_115 {strides = array<i32>} : memref<32x128xf32, #tpu.memory_space<vmem>>, vector<16xf32>,
        %get3A_120 = arith.index_cast %multiple_of3A_95 : i32 to index
        %get3A_121 = tpu.vector_load %arg14[%get3A_120] {strides = array<i32>} : memref<1024xf32, #tpu.memory_space<vmem>>, vector<16xf32>,
        %add3A_122 = arith.addf %gather3A, %get3A_121 : vector<16xf32>
        %swap3A_123 = arith.constant 31 : i32
        %swap3A_124 = arith.index_cast %swap3A_123 : i32 to index
        %swap3A_125 = arith.index_cast %multiple_of3A_99 : i32 to index
        %swap3A_126 = tpu.vector_load %arg15[%swap3A_124, %swap3A_125] {strides = array<i32>} : memref<32x128xf32, #tpu.memory_space<vmem>>, vector<16xf32>,
        tpu.vector_store %arg15[%swap3A_124, %swap3A_125], %add3A_122 {strides = array<i32>} : memref<32x128xf32, #tpu.memory_space<vmem>>, vector<16xf32>,
        %scan3A_127 = arith.constant 0 : i32
        scf.yield %scan3A_127 : i32
      }
      %scan3A_84 = arith.constant 8 : i32
      %mul3A_85 = arith.constant 4 : i32
      %mul3A_86 = arith.muli %min3A_26, %mul3A_85 : i32
      %multiple_of3A_87 = tpu.assume_multiple %mul3A_86, 8 : i32
      "tpu.region"() ({
        %run_scoped3A = tpu.sem_alloc : memref<!tpu.dma_semaphore, #tpu.memory_space<semaphore_mem>>
        %dma_start3A = arith.constant 0 : i32
        %dma_start3A_89 = tpu.memref_slice %arg8[%multiple_of3A_87, %dma_start3A] : memref<50000x128xf32, #tpu.memory_space<hbm>> -> memref<32x128xf32, #tpu.memory_space<hbm>>
        %dma_start3A_90 = arith.constant 0 : i32
        %dma_start3A_91 = tpu.memref_slice %arg8[%multiple_of3A_87, %dma_start3A_90] : memref<50000x128xf32, #tpu.memory_space<hbm>> -> memref<32x128xf32, #tpu.memory_space<hbm>>
        tpu.enqueue_dma source(%arg15 : memref<32x128xf32, #tpu.memory_space<vmem>>) target(%dma_start3A_91 : memref<32x128xf32, #tpu.memory_space<hbm>>) target_semaphore(%run_scoped3A : memref<!tpu.dma_semaphore, #tpu.memory_space<semaphore_mem>>)
        %dma_wait3A = arith.constant 0 : i32
        %dma_wait3A_92 = tpu.memref_slice %arg8[%multiple_of3A_87, %dma_wait3A] : memref<50000x128xf32, #tpu.memory_space<hbm>> -> memref<32x128xf32, #tpu.memory_space<hbm>>
        %dma_wait3A_93 = arith.constant 0 : i32
        %dma_wait3A_94 = tpu.memref_slice %arg8[%multiple_of3A_87, %dma_wait3A_93] : memref<50000x128xf32, #tpu.memory_space<hbm>> -> memref<32x128xf32, #tpu.memory_space<hbm>>
        tpu.wait_dma2 semaphore(%run_scoped3A : memref<!tpu.dma_semaphore, #tpu.memory_space<semaphore_mem>>) src(%arg15 : memref<32x128xf32, #tpu.memory_space<vmem>>) dst(%dma_wait3A_94 : memref<32x128xf32, #tpu.memory_space<hbm>>)
        tpu.yield
      }) : () -> ()
      %scan3A_88 = arith.constant 0 : i32
      scf.yield %scan3A_88 : i32
    }
    %scan3A_18 = arith.constant 49 : i32
    return
  }
}

#map = affine_map<(d0, d1) -> (0, 0)>
#map1 = affine_map<(d0, d1) -> (0)>
module attributes {stable_mosaic.version = 14 : i64} {
  func.func @_scatter_body(%arg0: i32, %arg1: i32, %arg2: memref<32x16xi32, #tpu.memory_space<hbm>>, %arg3: memref<1600000xi32, #tpu.memory_space<hbm>>, %arg4: memref<1600000xf32, #tpu.memory_space<hbm>>, %arg5: memref<1600000xf32, #tpu.memory_space<hbm>>, %arg6: memref<1600000xf32, #tpu.memory_space<hbm>>, %arg7: memref<1600000xf32, #tpu.memory_space<hbm>>, %arg8: memref<100352xf32, #tpu.memory_space<hbm>>, %arg9: memref<16xi32, #tpu.memory_space<vmem>>, %arg10: memref<512xi32, #tpu.memory_space<vmem>>, %arg11: memref<512xf32, #tpu.memory_space<vmem>>, %arg12: memref<512xf32, #tpu.memory_space<vmem>>, %arg13: memref<512xf32, #tpu.memory_space<vmem>>, %arg14: memref<512xf32, #tpu.memory_space<vmem>>, %arg15: memref<50176xf32, #tpu.memory_space<vmem>>, %arg16: memref<3136xf32, #tpu.memory_space<vmem>>) attributes {dimension_semantics = [#tpu.dimension_semantics<core_parallel>, #tpu.dimension_semantics<subcore_parallel>], iteration_bounds = array<i64: 2, 16>, scalar_prefetch = 0 : i64, scratch_operands = 8 : i64, tpu.core_type = #tpu.core_type<sc_vector_subcore>, window_params = [{transform_indices = #map}, {transform_indices = #map1}, {transform_indices = #map1}, {transform_indices = #map1}, {transform_indices = #map1}, {transform_indices = #map1}, {transform_indices = #map1}]} {
    %mul3A = arith.constant 2 : i32
    %mul3A_0 = arith.muli %arg1, %mul3A : i32
    %add3A = arith.addi %mul3A_0, %arg0 : i32
    %iota3A = tpu.iota {dimensions = array<i32: 0>} : vector<16xi32>
    "tpu.region"() ({
      %run_scoped3A = tpu.sem_alloc : memref<!tpu.dma_semaphore, #tpu.memory_space<semaphore_mem>>
      %dma_start3A = arith.constant 0 : i32
      %dma_start3A_68 = tpu.memref_slice %arg2[%add3A, %dma_start3A] : memref<32x16xi32, #tpu.memory_space<hbm>> -> memref<1x16xi32, #tpu.memory_space<hbm>>
      %dma_start3A_69 = tpu.memref_squeeze %dma_start3A_68 : memref<1x16xi32, #tpu.memory_space<hbm>> -> memref<16xi32, #tpu.memory_space<hbm>>
      %dma_start3A_70 = arith.constant 0 : i32
      %dma_start3A_71 = tpu.memref_slice %arg2[%add3A, %dma_start3A_70] : memref<32x16xi32, #tpu.memory_space<hbm>> -> memref<1x16xi32, #tpu.memory_space<hbm>>
      %dma_start3A_72 = tpu.memref_squeeze %dma_start3A_71 : memref<1x16xi32, #tpu.memory_space<hbm>> -> memref<16xi32, #tpu.memory_space<hbm>>
      tpu.enqueue_dma source(%dma_start3A_72 : memref<16xi32, #tpu.memory_space<hbm>>) target(%arg9 : memref<16xi32, #tpu.memory_space<vmem>>) target_semaphore(%run_scoped3A : memref<!tpu.dma_semaphore, #tpu.memory_space<semaphore_mem>>)
      %dma_wait3A = arith.constant 0 : i32
      %dma_wait3A_73 = tpu.memref_slice %arg2[%add3A, %dma_wait3A] : memref<32x16xi32, #tpu.memory_space<hbm>> -> memref<1x16xi32, #tpu.memory_space<hbm>>
      %dma_wait3A_74 = tpu.memref_squeeze %dma_wait3A_73 : memref<1x16xi32, #tpu.memory_space<hbm>> -> memref<16xi32, #tpu.memory_space<hbm>>
      %dma_wait3A_75 = arith.constant 0 : i32
      %dma_wait3A_76 = tpu.memref_slice %arg2[%add3A, %dma_wait3A_75] : memref<32x16xi32, #tpu.memory_space<hbm>> -> memref<1x16xi32, #tpu.memory_space<hbm>>
      %dma_wait3A_77 = tpu.memref_squeeze %dma_wait3A_76 : memref<1x16xi32, #tpu.memory_space<hbm>> -> memref<16xi32, #tpu.memory_space<hbm>>
      tpu.wait_dma2 semaphore(%run_scoped3A : memref<!tpu.dma_semaphore, #tpu.memory_space<semaphore_mem>>) src(%dma_wait3A_77 : memref<16xi32, #tpu.memory_space<hbm>>) dst(%arg9 : memref<16xi32, #tpu.memory_space<vmem>>)
      tpu.yield
    }) : () -> ()
    %get3A = arith.constant 0 : index
    %get3A_1 = tpu.vector_load %arg9[%get3A] {strides = array<i32>} : memref<16xi32, #tpu.memory_space<vmem>>, vector<16xi32>,
    %eq3A = arith.constant 0 : i32
    %eq3A_2 = vector.broadcast %eq3A : i32 to vector<16xi32>
    %eq3A_3 = arith.cmpi eq, %iota3A, %eq3A_2 : vector<16xi32>
    %jit3A = arith.constant 0 : i32
    %broadcast_in_dim3A = vector.broadcast %jit3A : i32 to vector<16xi32>
    %select_n3A = arith.select %eq3A_3, %get3A_1, %broadcast_in_dim3A : vector<16xi1>, vector<16xi32>
    %reduce_sum3A = arith.constant true
    %reduce_sum3A_4 = vector.broadcast %reduce_sum3A : i1 to vector<16xi1>
    %reduce_sum3A_5 = tpu.scan <sum>, %select_n3A masked %reduce_sum3A_4 : vector<16xi32>, vector<16xi1> -> vector<16xi32>
    %reduce_sum3A_6 = vector.extract %reduce_sum3A_5[15] : i32 from vector<16xi32>
    %eq3A_7 = arith.constant 1 : i32
    %eq3A_8 = vector.broadcast %eq3A_7 : i32 to vector<16xi32>
    %eq3A_9 = arith.cmpi eq, %iota3A, %eq3A_8 : vector<16xi32>
    %jit3A_10 = arith.constant 0 : i32
    %broadcast_in_dim3A_11 = vector.broadcast %jit3A_10 : i32 to vector<16xi32>
    %select_n3A_12 = arith.select %eq3A_9, %get3A_1, %broadcast_in_dim3A_11 : vector<16xi1>, vector<16xi32>
    %reduce_sum3A_13 = arith.constant true
    %reduce_sum3A_14 = vector.broadcast %reduce_sum3A_13 : i1 to vector<16xi1>
    %reduce_sum3A_15 = tpu.scan <sum>, %select_n3A_12 masked %reduce_sum3A_14 : vector<16xi32>, vector<16xi1> -> vector<16xi32>
    %reduce_sum3A_16 = vector.extract %reduce_sum3A_15[15] : i32 from vector<16xi32>
    %eq3A_17 = arith.constant 2 : i32
    %eq3A_18 = vector.broadcast %eq3A_17 : i32 to vector<16xi32>
    %eq3A_19 = arith.cmpi eq, %iota3A, %eq3A_18 : vector<16xi32>
    %jit3A_20 = arith.constant 0 : i32
    %broadcast_in_dim3A_21 = vector.broadcast %jit3A_20 : i32 to vector<16xi32>
    %select_n3A_22 = arith.select %eq3A_19, %get3A_1, %broadcast_in_dim3A_21 : vector<16xi1>, vector<16xi32>
    %reduce_sum3A_23 = arith.constant true
    %reduce_sum3A_24 = vector.broadcast %reduce_sum3A_23 : i1 to vector<16xi1>
    %reduce_sum3A_25 = tpu.scan <sum>, %select_n3A_22 masked %reduce_sum3A_24 : vector<16xi32>, vector<16xi1> -> vector<16xi32>
    %reduce_sum3A_26 = vector.extract %reduce_sum3A_25[15] : i32 from vector<16xi32>
    %eq3A_27 = arith.constant 3 : i32
    %eq3A_28 = vector.broadcast %eq3A_27 : i32 to vector<16xi32>
    %eq3A_29 = arith.cmpi eq, %iota3A, %eq3A_28 : vector<16xi32>
    %jit3A_30 = arith.constant 0 : i32
    %broadcast_in_dim3A_31 = vector.broadcast %jit3A_30 : i32 to vector<16xi32>
    %select_n3A_32 = arith.select %eq3A_29, %get3A_1, %broadcast_in_dim3A_31 : vector<16xi1>, vector<16xi32>
    %reduce_sum3A_33 = arith.constant true
    %reduce_sum3A_34 = vector.broadcast %reduce_sum3A_33 : i1 to vector<16xi1>
    %reduce_sum3A_35 = tpu.scan <sum>, %select_n3A_32 masked %reduce_sum3A_34 : vector<16xi32>, vector<16xi1> -> vector<16xi32>
    %reduce_sum3A_36 = vector.extract %reduce_sum3A_35[15] : i32 from vector<16xi32>
    %scan3A = arith.constant 0 : i32
    %scan3A_37 = arith.constant 0 : i32
    %scan3A_38 = arith.constant 3136 : i32
    %scan3A_39 = arith.addi %scan3A_37, %scan3A_38 : i32
    %scan3A_40 = arith.constant 1 : i32
    %scan3A_41 = scf.for %scan3A_68 = %scan3A_37 to %scan3A_39 step %scan3A_40 iter_args(%scan3A_69 = %scan3A) -> (i32)  : i32 {
      %broadcast_in_dim3A_70 = arith.constant 0.000000e+00 : f32
      %broadcast_in_dim3A_71 = vector.broadcast %broadcast_in_dim3A_70 : f32 to vector<16xf32>
      %mul3A_72 = arith.constant 16 : i32
      %mul3A_73 = arith.muli %scan3A_68, %mul3A_72 : i32
      %swap3A = arith.index_cast %mul3A_73 : i32 to index
      %swap3A_74 = tpu.vector_load %arg15[%swap3A] {strides = array<i32>} : memref<50176xf32, #tpu.memory_space<vmem>>, vector<16xf32>,
      tpu.vector_store %arg15[%swap3A], %broadcast_in_dim3A_71 {strides = array<i32>} : memref<50176xf32, #tpu.memory_space<vmem>>, vector<16xf32>,
      %scan3A_75 = arith.constant 0 : i32
      scf.yield %scan3A_75 : i32
    }
    %scan3A_42 = arith.constant 3136 : i32
    %mul3A_43 = arith.constant 3136 : i32
    %mul3A_44 = arith.muli %add3A, %mul3A_43 : i32
    %mul3A_45 = arith.constant 3136 : i32
    %mul3A_46 = vector.broadcast %mul3A_45 : i32 to vector<16xi32>
    %mul3A_47 = arith.muli %iota3A, %mul3A_46 : vector<16xi32>
    %while3A = arith.constant 0 : i32
    %while3A_48 = arith.constant 0 : i32
    %while3A_49 = arith.subi %reduce_sum3A_16, %while3A : i32
    %while3A_50 = arith.addi %while3A, %while3A_49 : i32
    %while3A_51 = arith.constant 1 : i32
    %while3A_52 = arith.divsi %while3A_49, %while3A_51 : i32
    %while3A_53 = arith.muli %while3A_52, %while3A_51 : i32
    %while3A_54 = arith.addi %while3A, %while3A_53 : i32
    %while3A_55 = arith.constant 1 : i32
    %while3A_56 = scf.for %while3A_68 = %while3A to %while3A_54 step %while3A_55 iter_args(%while3A_69 = %while3A_48) -> (i32)  : i32 {
      %mul3A_70 = arith.constant 512 : i32
      %mul3A_71 = arith.muli %while3A_68, %mul3A_70 : i32
      %add3A_72 = arith.addi %reduce_sum3A_6, %mul3A_71 : i32
      %min3A = arith.constant 1599488 : i32
      %min3A_73 = arith.minsi %add3A_72, %min3A : i32
      %max3A = arith.constant 0 : i32
      %max3A_74 = arith.maxsi %min3A_73, %max3A : i32
      %multiple_of3A = tpu.assume_multiple %max3A_74, 8 : i32
      "tpu.region"() ({
        %run_scoped3A = tpu.sem_alloc : memref<!tpu.dma_semaphore, #tpu.memory_space<semaphore_mem>>
        %dma_start3A = tpu.memref_slice %arg3[%multiple_of3A] : memref<1600000xi32, #tpu.memory_space<hbm>> -> memref<512xi32, #tpu.memory_space<hbm>>
        %dma_start3A_83 = tpu.memref_slice %arg3[%multiple_of3A] : memref<1600000xi32, #tpu.memory_space<hbm>> -> memref<512xi32, #tpu.memory_space<hbm>>
        tpu.enqueue_dma source(%dma_start3A_83 : memref<512xi32, #tpu.memory_space<hbm>>) target(%arg10 : memref<512xi32, #tpu.memory_space<vmem>>) target_semaphore(%run_scoped3A : memref<!tpu.dma_semaphore, #tpu.memory_space<semaphore_mem>>)
        %dma_wait3A = tpu.memref_slice %arg3[%multiple_of3A] : memref<1600000xi32, #tpu.memory_space<hbm>> -> memref<512xi32, #tpu.memory_space<hbm>>
        %dma_wait3A_84 = tpu.memref_slice %arg3[%multiple_of3A] : memref<1600000xi32, #tpu.memory_space<hbm>> -> memref<512xi32, #tpu.memory_space<hbm>>
        tpu.wait_dma2 semaphore(%run_scoped3A : memref<!tpu.dma_semaphore, #tpu.memory_space<semaphore_mem>>) src(%dma_wait3A_84 : memref<512xi32, #tpu.memory_space<hbm>>) dst(%arg10 : memref<512xi32, #tpu.memory_space<vmem>>)
        tpu.yield
      }) : () -> ()
      "tpu.region"() ({
        %run_scoped3A = tpu.sem_alloc : memref<!tpu.dma_semaphore, #tpu.memory_space<semaphore_mem>>
        %dma_start3A = tpu.memref_slice %arg4[%multiple_of3A] : memref<1600000xf32, #tpu.memory_space<hbm>> -> memref<512xf32, #tpu.memory_space<hbm>>
        %dma_start3A_83 = tpu.memref_slice %arg4[%multiple_of3A] : memref<1600000xf32, #tpu.memory_space<hbm>> -> memref<512xf32, #tpu.memory_space<hbm>>
        tpu.enqueue_dma source(%dma_start3A_83 : memref<512xf32, #tpu.memory_space<hbm>>) target(%arg11 : memref<512xf32, #tpu.memory_space<vmem>>) target_semaphore(%run_scoped3A : memref<!tpu.dma_semaphore, #tpu.memory_space<semaphore_mem>>)
        %dma_wait3A = tpu.memref_slice %arg4[%multiple_of3A] : memref<1600000xf32, #tpu.memory_space<hbm>> -> memref<512xf32, #tpu.memory_space<hbm>>
        %dma_wait3A_84 = tpu.memref_slice %arg4[%multiple_of3A] : memref<1600000xf32, #tpu.memory_space<hbm>> -> memref<512xf32, #tpu.memory_space<hbm>>
        tpu.wait_dma2 semaphore(%run_scoped3A : memref<!tpu.dma_semaphore, #tpu.memory_space<semaphore_mem>>) src(%dma_wait3A_84 : memref<512xf32, #tpu.memory_space<hbm>>) dst(%arg11 : memref<512xf32, #tpu.memory_space<vmem>>)
        tpu.yield
      }) : () -> ()
      "tpu.region"() ({
        %run_scoped3A = tpu.sem_alloc : memref<!tpu.dma_semaphore, #tpu.memory_space<semaphore_mem>>
        %dma_start3A = tpu.memref_slice %arg5[%multiple_of3A] : memref<1600000xf32, #tpu.memory_space<hbm>> -> memref<512xf32, #tpu.memory_space<hbm>>
        %dma_start3A_83 = tpu.memref_slice %arg5[%multiple_of3A] : memref<1600000xf32, #tpu.memory_space<hbm>> -> memref<512xf32, #tpu.memory_space<hbm>>
        tpu.enqueue_dma source(%dma_start3A_83 : memref<512xf32, #tpu.memory_space<hbm>>) target(%arg12 : memref<512xf32, #tpu.memory_space<vmem>>) target_semaphore(%run_scoped3A : memref<!tpu.dma_semaphore, #tpu.memory_space<semaphore_mem>>)
        %dma_wait3A = tpu.memref_slice %arg5[%multiple_of3A] : memref<1600000xf32, #tpu.memory_space<hbm>> -> memref<512xf32, #tpu.memory_space<hbm>>
        %dma_wait3A_84 = tpu.memref_slice %arg5[%multiple_of3A] : memref<1600000xf32, #tpu.memory_space<hbm>> -> memref<512xf32, #tpu.memory_space<hbm>>
        tpu.wait_dma2 semaphore(%run_scoped3A : memref<!tpu.dma_semaphore, #tpu.memory_space<semaphore_mem>>) src(%dma_wait3A_84 : memref<512xf32, #tpu.memory_space<hbm>>) dst(%arg12 : memref<512xf32, #tpu.memory_space<vmem>>)
        tpu.yield
      }) : () -> ()
      "tpu.region"() ({
        %run_scoped3A = tpu.sem_alloc : memref<!tpu.dma_semaphore, #tpu.memory_space<semaphore_mem>>
        %dma_start3A = tpu.memref_slice %arg6[%multiple_of3A] : memref<1600000xf32, #tpu.memory_space<hbm>> -> memref<512xf32, #tpu.memory_space<hbm>>
        %dma_start3A_83 = tpu.memref_slice %arg6[%multiple_of3A] : memref<1600000xf32, #tpu.memory_space<hbm>> -> memref<512xf32, #tpu.memory_space<hbm>>
        tpu.enqueue_dma source(%dma_start3A_83 : memref<512xf32, #tpu.memory_space<hbm>>) target(%arg13 : memref<512xf32, #tpu.memory_space<vmem>>) target_semaphore(%run_scoped3A : memref<!tpu.dma_semaphore, #tpu.memory_space<semaphore_mem>>)
        %dma_wait3A = tpu.memref_slice %arg6[%multiple_of3A] : memref<1600000xf32, #tpu.memory_space<hbm>> -> memref<512xf32, #tpu.memory_space<hbm>>
        %dma_wait3A_84 = tpu.memref_slice %arg6[%multiple_of3A] : memref<1600000xf32, #tpu.memory_space<hbm>> -> memref<512xf32, #tpu.memory_space<hbm>>
        tpu.wait_dma2 semaphore(%run_scoped3A : memref<!tpu.dma_semaphore, #tpu.memory_space<semaphore_mem>>) src(%dma_wait3A_84 : memref<512xf32, #tpu.memory_space<hbm>>) dst(%arg13 : memref<512xf32, #tpu.memory_space<vmem>>)
        tpu.yield
      }) : () -> ()
      "tpu.region"() ({
        %run_scoped3A = tpu.sem_alloc : memref<!tpu.dma_semaphore, #tpu.memory_space<semaphore_mem>>
        %dma_start3A = tpu.memref_slice %arg7[%multiple_of3A] : memref<1600000xf32, #tpu.memory_space<hbm>> -> memref<512xf32, #tpu.memory_space<hbm>>
        %dma_start3A_83 = tpu.memref_slice %arg7[%multiple_of3A] : memref<1600000xf32, #tpu.memory_space<hbm>> -> memref<512xf32, #tpu.memory_space<hbm>>
        tpu.enqueue_dma source(%dma_start3A_83 : memref<512xf32, #tpu.memory_space<hbm>>) target(%arg14 : memref<512xf32, #tpu.memory_space<vmem>>) target_semaphore(%run_scoped3A : memref<!tpu.dma_semaphore, #tpu.memory_space<semaphore_mem>>)
        %dma_wait3A = tpu.memref_slice %arg7[%multiple_of3A] : memref<1600000xf32, #tpu.memory_space<hbm>> -> memref<512xf32, #tpu.memory_space<hbm>>
        %dma_wait3A_84 = tpu.memref_slice %arg7[%multiple_of3A] : memref<1600000xf32, #tpu.memory_space<hbm>> -> memref<512xf32, #tpu.memory_space<hbm>>
        tpu.wait_dma2 semaphore(%run_scoped3A : memref<!tpu.dma_semaphore, #tpu.memory_space<semaphore_mem>>) src(%dma_wait3A_84 : memref<512xf32, #tpu.memory_space<hbm>>) dst(%arg14 : memref<512xf32, #tpu.memory_space<vmem>>)
        tpu.yield
      }) : () -> ()
      %scan3A_75 = arith.constant 0 : i32
      %scan3A_76 = arith.constant 0 : i32
      %scan3A_77 = arith.constant 32 : i32
      %scan3A_78 = arith.addi %scan3A_76, %scan3A_77 : i32
      %scan3A_79 = arith.constant 1 : i32
      %scan3A_80 = scf.for %scan3A_83 = %scan3A_76 to %scan3A_78 step %scan3A_79 iter_args(%scan3A_84 = %scan3A_75) -> (i32)  : i32 {
        %mul3A_85 = arith.constant 16 : i32
        %mul3A_86 = arith.muli %scan3A_83, %mul3A_85 : i32
        %multiple_of3A_87 = tpu.assume_multiple %mul3A_86, 16 : i32
        %get3A_88 = arith.index_cast %multiple_of3A_87 : i32 to index
        %get3A_89 = tpu.vector_load %arg10[%get3A_88] {strides = array<i32>} : memref<512xi32, #tpu.memory_space<vmem>>, vector<16xi32>,
        %mul3A_90 = arith.constant 16 : i32
        %mul3A_91 = arith.muli %scan3A_83, %mul3A_90 : i32
        %add3A_92 = arith.addi %multiple_of3A, %mul3A_91 : i32
        %add3A_93 = vector.broadcast %add3A_92 : i32 to vector<16xi32>
        %add3A_94 = arith.addi %add3A_93, %iota3A : vector<16xi32>
        %ge3A = vector.broadcast %reduce_sum3A_26 : i32 to vector<16xi32>
        %ge3A_95 = arith.cmpi sge, %add3A_94, %ge3A : vector<16xi32>
        %lt3A = vector.broadcast %reduce_sum3A_36 : i32 to vector<16xi32>
        %lt3A_96 = arith.cmpi slt, %add3A_94, %lt3A : vector<16xi32>
        %and3A = arith.andi %ge3A_95, %lt3A_96 : vector<16xi1>
        %mul3A_97 = arith.constant 4 : i32
        %mul3A_98 = vector.broadcast %mul3A_97 : i32 to vector<16xi32>
        %mul3A_99 = arith.muli %get3A_89, %mul3A_98 : vector<16xi32>
        %sub3A = vector.broadcast %mul3A_44 : i32 to vector<16xi32>
        %sub3A_100 = arith.subi %mul3A_99, %sub3A : vector<16xi32>
        %add3A_101 = arith.addi %sub3A_100, %mul3A_47 : vector<16xi32>
        %add3A_102 = arith.constant 0 : i32
        %add3A_103 = vector.broadcast %add3A_102 : i32 to vector<16xi32>
        %add3A_104 = arith.addi %add3A_101, %add3A_103 : vector<16xi32>
        %gather3A = tpu.vector_load_idx %arg15[%add3A_104] masked %and3A : memref<50176xf32, #tpu.memory_space<vmem>>[vector<16xi32>], vector<16xf32>, vector<16xi1>
        %add3A_105 = arith.constant 0 : i32
        %add3A_106 = vector.broadcast %add3A_105 : i32 to vector<16xi32>
        %add3A_107 = arith.addi %add3A_101, %add3A_106 : vector<16xi32>
        %get3A_108 = arith.index_cast %multiple_of3A_87 : i32 to index
        %get3A_109 = tpu.vector_load %arg11[%get3A_108] {strides = array<i32>} : memref<512xf32, #tpu.memory_space<vmem>>, vector<16xf32>,
        %max3A_110 = arith.maximumf %gather3A, %get3A_109 : vector<16xf32>
        tpu.vector_store_idx %arg15[%add3A_107], %max3A_110 masked %and3A : memref<50176xf32, #tpu.memory_space<vmem>>[vector<16xi32>], vector<16xf32>, vector<16xi1>
        %add3A_111 = arith.constant 1 : i32
        %add3A_112 = vector.broadcast %add3A_111 : i32 to vector<16xi32>
        %add3A_113 = arith.addi %add3A_101, %add3A_112 : vector<16xi32>
        %gather3A_114 = tpu.vector_load_idx %arg15[%add3A_113] masked %and3A : memref<50176xf32, #tpu.memory_space<vmem>>[vector<16xi32>], vector<16xf32>, vector<16xi1>
        %add3A_115 = arith.constant 1 : i32
        %add3A_116 = vector.broadcast %add3A_115 : i32 to vector<16xi32>
        %add3A_117 = arith.addi %add3A_101, %add3A_116 : vector<16xi32>
        %get3A_118 = arith.index_cast %multiple_of3A_87 : i32 to index
        %get3A_119 = tpu.vector_load %arg12[%get3A_118] {strides = array<i32>} : memref<512xf32, #tpu.memory_space<vmem>>, vector<16xf32>,
        %max3A_120 = arith.maximumf %gather3A_114, %get3A_119 : vector<16xf32>
        tpu.vector_store_idx %arg15[%add3A_117], %max3A_120 masked %and3A : memref<50176xf32, #tpu.memory_space<vmem>>[vector<16xi32>], vector<16xf32>, vector<16xi1>
        %add3A_121 = arith.constant 2 : i32
        %add3A_122 = vector.broadcast %add3A_121 : i32 to vector<16xi32>
        %add3A_123 = arith.addi %add3A_101, %add3A_122 : vector<16xi32>
        %gather3A_124 = tpu.vector_load_idx %arg15[%add3A_123] masked %and3A : memref<50176xf32, #tpu.memory_space<vmem>>[vector<16xi32>], vector<16xf32>, vector<16xi1>
        %add3A_125 = arith.constant 2 : i32
        %add3A_126 = vector.broadcast %add3A_125 : i32 to vector<16xi32>
        %add3A_127 = arith.addi %add3A_101, %add3A_126 : vector<16xi32>
        %get3A_128 = arith.index_cast %multiple_of3A_87 : i32 to index
        %get3A_129 = tpu.vector_load %arg13[%get3A_128] {strides = array<i32>} : memref<512xf32, #tpu.memory_space<vmem>>, vector<16xf32>,
        %max3A_130 = arith.maximumf %gather3A_124, %get3A_129 : vector<16xf32>
        tpu.vector_store_idx %arg15[%add3A_127], %max3A_130 masked %and3A : memref<50176xf32, #tpu.memory_space<vmem>>[vector<16xi32>], vector<16xf32>, vector<16xi1>
        %add3A_131 = arith.constant 3 : i32
        %add3A_132 = vector.broadcast %add3A_131 : i32 to vector<16xi32>
        %add3A_133 = arith.addi %add3A_101, %add3A_132 : vector<16xi32>
        %gather3A_134 = tpu.vector_load_idx %arg15[%add3A_133] masked %and3A : memref<50176xf32, #tpu.memory_space<vmem>>[vector<16xi32>], vector<16xf32>, vector<16xi1>
        %add3A_135 = arith.constant 3 : i32
        %add3A_136 = vector.broadcast %add3A_135 : i32 to vector<16xi32>
        %add3A_137 = arith.addi %add3A_101, %add3A_136 : vector<16xi32>
        %get3A_138 = arith.index_cast %multiple_of3A_87 : i32 to index
        %get3A_139 = tpu.vector_load %arg14[%get3A_138] {strides = array<i32>} : memref<512xf32, #tpu.memory_space<vmem>>, vector<16xf32>,
        %max3A_140 = arith.maximumf %gather3A_134, %get3A_139 : vector<16xf32>
        tpu.vector_store_idx %arg15[%add3A_137], %max3A_140 masked %and3A : memref<50176xf32, #tpu.memory_space<vmem>>[vector<16xi32>], vector<16xf32>, vector<16xi1>
        %scan3A_141 = arith.constant 0 : i32
        scf.yield %scan3A_141 : i32
      }
      %scan3A_81 = arith.constant 32 : i32
      %while3A_82 = arith.constant 0 : i32
      scf.yield %while3A_82 : i32
    }
    %while3A_57 = arith.constant 1 : i32
    %while3A_58 = scf.for %while3A_68 = %while3A_54 to %while3A_50 step %while3A_57 iter_args(%while3A_69 = %while3A_56) -> (i32)  : i32 {
      %mul3A_70 = arith.constant 512 : i32
      %mul3A_71 = arith.muli %while3A_68, %mul3A_70 : i32
      %add3A_72 = arith.addi %reduce_sum3A_6, %mul3A_71 : i32
      %min3A = arith.constant 1599488 : i32
      %min3A_73 = arith.minsi %add3A_72, %min3A : i32
      %max3A = arith.constant 0 : i32
      %max3A_74 = arith.maxsi %min3A_73, %max3A : i32
      %multiple_of3A = tpu.assume_multiple %max3A_74, 8 : i32
      "tpu.region"() ({
        %run_scoped3A = tpu.sem_alloc : memref<!tpu.dma_semaphore, #tpu.memory_space<semaphore_mem>>
        %dma_start3A = tpu.memref_slice %arg3[%multiple_of3A] : memref<1600000xi32, #tpu.memory_space<hbm>> -> memref<512xi32, #tpu.memory_space<hbm>>
        %dma_start3A_83 = tpu.memref_slice %arg3[%multiple_of3A] : memref<1600000xi32, #tpu.memory_space<hbm>> -> memref<512xi32, #tpu.memory_space<hbm>>
        tpu.enqueue_dma source(%dma_start3A_83 : memref<512xi32, #tpu.memory_space<hbm>>) target(%arg10 : memref<512xi32, #tpu.memory_space<vmem>>) target_semaphore(%run_scoped3A : memref<!tpu.dma_semaphore, #tpu.memory_space<semaphore_mem>>)
        %dma_wait3A = tpu.memref_slice %arg3[%multiple_of3A] : memref<1600000xi32, #tpu.memory_space<hbm>> -> memref<512xi32, #tpu.memory_space<hbm>>
        %dma_wait3A_84 = tpu.memref_slice %arg3[%multiple_of3A] : memref<1600000xi32, #tpu.memory_space<hbm>> -> memref<512xi32, #tpu.memory_space<hbm>>
        tpu.wait_dma2 semaphore(%run_scoped3A : memref<!tpu.dma_semaphore, #tpu.memory_space<semaphore_mem>>) src(%dma_wait3A_84 : memref<512xi32, #tpu.memory_space<hbm>>) dst(%arg10 : memref<512xi32, #tpu.memory_space<vmem>>)
        tpu.yield
      }) : () -> ()
      "tpu.region"() ({
        %run_scoped3A = tpu.sem_alloc : memref<!tpu.dma_semaphore, #tpu.memory_space<semaphore_mem>>
        %dma_start3A = tpu.memref_slice %arg4[%multiple_of3A] : memref<1600000xf32, #tpu.memory_space<hbm>> -> memref<512xf32, #tpu.memory_space<hbm>>
        %dma_start3A_83 = tpu.memref_slice %arg4[%multiple_of3A] : memref<1600000xf32, #tpu.memory_space<hbm>> -> memref<512xf32, #tpu.memory_space<hbm>>
        tpu.enqueue_dma source(%dma_start3A_83 : memref<512xf32, #tpu.memory_space<hbm>>) target(%arg11 : memref<512xf32, #tpu.memory_space<vmem>>) target_semaphore(%run_scoped3A : memref<!tpu.dma_semaphore, #tpu.memory_space<semaphore_mem>>)
        %dma_wait3A = tpu.memref_slice %arg4[%multiple_of3A] : memref<1600000xf32, #tpu.memory_space<hbm>> -> memref<512xf32, #tpu.memory_space<hbm>>
        %dma_wait3A_84 = tpu.memref_slice %arg4[%multiple_of3A] : memref<1600000xf32, #tpu.memory_space<hbm>> -> memref<512xf32, #tpu.memory_space<hbm>>
        tpu.wait_dma2 semaphore(%run_scoped3A : memref<!tpu.dma_semaphore, #tpu.memory_space<semaphore_mem>>) src(%dma_wait3A_84 : memref<512xf32, #tpu.memory_space<hbm>>) dst(%arg11 : memref<512xf32, #tpu.memory_space<vmem>>)
        tpu.yield
      }) : () -> ()
      "tpu.region"() ({
        %run_scoped3A = tpu.sem_alloc : memref<!tpu.dma_semaphore, #tpu.memory_space<semaphore_mem>>
        %dma_start3A = tpu.memref_slice %arg5[%multiple_of3A] : memref<1600000xf32, #tpu.memory_space<hbm>> -> memref<512xf32, #tpu.memory_space<hbm>>
        %dma_start3A_83 = tpu.memref_slice %arg5[%multiple_of3A] : memref<1600000xf32, #tpu.memory_space<hbm>> -> memref<512xf32, #tpu.memory_space<hbm>>
        tpu.enqueue_dma source(%dma_start3A_83 : memref<512xf32, #tpu.memory_space<hbm>>) target(%arg12 : memref<512xf32, #tpu.memory_space<vmem>>) target_semaphore(%run_scoped3A : memref<!tpu.dma_semaphore, #tpu.memory_space<semaphore_mem>>)
        %dma_wait3A = tpu.memref_slice %arg5[%multiple_of3A] : memref<1600000xf32, #tpu.memory_space<hbm>> -> memref<512xf32, #tpu.memory_space<hbm>>
        %dma_wait3A_84 = tpu.memref_slice %arg5[%multiple_of3A] : memref<1600000xf32, #tpu.memory_space<hbm>> -> memref<512xf32, #tpu.memory_space<hbm>>
        tpu.wait_dma2 semaphore(%run_scoped3A : memref<!tpu.dma_semaphore, #tpu.memory_space<semaphore_mem>>) src(%dma_wait3A_84 : memref<512xf32, #tpu.memory_space<hbm>>) dst(%arg12 : memref<512xf32, #tpu.memory_space<vmem>>)
        tpu.yield
      }) : () -> ()
      "tpu.region"() ({
        %run_scoped3A = tpu.sem_alloc : memref<!tpu.dma_semaphore, #tpu.memory_space<semaphore_mem>>
        %dma_start3A = tpu.memref_slice %arg6[%multiple_of3A] : memref<1600000xf32, #tpu.memory_space<hbm>> -> memref<512xf32, #tpu.memory_space<hbm>>
        %dma_start3A_83 = tpu.memref_slice %arg6[%multiple_of3A] : memref<1600000xf32, #tpu.memory_space<hbm>> -> memref<512xf32, #tpu.memory_space<hbm>>
        tpu.enqueue_dma source(%dma_start3A_83 : memref<512xf32, #tpu.memory_space<hbm>>) target(%arg13 : memref<512xf32, #tpu.memory_space<vmem>>) target_semaphore(%run_scoped3A : memref<!tpu.dma_semaphore, #tpu.memory_space<semaphore_mem>>)
        %dma_wait3A = tpu.memref_slice %arg6[%multiple_of3A] : memref<1600000xf32, #tpu.memory_space<hbm>> -> memref<512xf32, #tpu.memory_space<hbm>>
        %dma_wait3A_84 = tpu.memref_slice %arg6[%multiple_of3A] : memref<1600000xf32, #tpu.memory_space<hbm>> -> memref<512xf32, #tpu.memory_space<hbm>>
        tpu.wait_dma2 semaphore(%run_scoped3A : memref<!tpu.dma_semaphore, #tpu.memory_space<semaphore_mem>>) src(%dma_wait3A_84 : memref<512xf32, #tpu.memory_space<hbm>>) dst(%arg13 : memref<512xf32, #tpu.memory_space<vmem>>)
        tpu.yield
      }) : () -> ()
      "tpu.region"() ({
        %run_scoped3A = tpu.sem_alloc : memref<!tpu.dma_semaphore, #tpu.memory_space<semaphore_mem>>
        %dma_start3A = tpu.memref_slice %arg7[%multiple_of3A] : memref<1600000xf32, #tpu.memory_space<hbm>> -> memref<512xf32, #tpu.memory_space<hbm>>
        %dma_start3A_83 = tpu.memref_slice %arg7[%multiple_of3A] : memref<1600000xf32, #tpu.memory_space<hbm>> -> memref<512xf32, #tpu.memory_space<hbm>>
        tpu.enqueue_dma source(%dma_start3A_83 : memref<512xf32, #tpu.memory_space<hbm>>) target(%arg14 : memref<512xf32, #tpu.memory_space<vmem>>) target_semaphore(%run_scoped3A : memref<!tpu.dma_semaphore, #tpu.memory_space<semaphore_mem>>)
        %dma_wait3A = tpu.memref_slice %arg7[%multiple_of3A] : memref<1600000xf32, #tpu.memory_space<hbm>> -> memref<512xf32, #tpu.memory_space<hbm>>
        %dma_wait3A_84 = tpu.memref_slice %arg7[%multiple_of3A] : memref<1600000xf32, #tpu.memory_space<hbm>> -> memref<512xf32, #tpu.memory_space<hbm>>
        tpu.wait_dma2 semaphore(%run_scoped3A : memref<!tpu.dma_semaphore, #tpu.memory_space<semaphore_mem>>) src(%dma_wait3A_84 : memref<512xf32, #tpu.memory_space<hbm>>) dst(%arg14 : memref<512xf32, #tpu.memory_space<vmem>>)
        tpu.yield
      }) : () -> ()
      %scan3A_75 = arith.constant 0 : i32
      %scan3A_76 = arith.constant 0 : i32
      %scan3A_77 = arith.constant 32 : i32
      %scan3A_78 = arith.addi %scan3A_76, %scan3A_77 : i32
      %scan3A_79 = arith.constant 1 : i32
      %scan3A_80 = scf.for %scan3A_83 = %scan3A_76 to %scan3A_78 step %scan3A_79 iter_args(%scan3A_84 = %scan3A_75) -> (i32)  : i32 {
        %mul3A_85 = arith.constant 16 : i32
        %mul3A_86 = arith.muli %scan3A_83, %mul3A_85 : i32
        %multiple_of3A_87 = tpu.assume_multiple %mul3A_86, 16 : i32
        %get3A_88 = arith.index_cast %multiple_of3A_87 : i32 to index
        %get3A_89 = tpu.vector_load %arg10[%get3A_88] {strides = array<i32>} : memref<512xi32, #tpu.memory_space<vmem>>, vector<16xi32>,
        %mul3A_90 = arith.constant 16 : i32
        %mul3A_91 = arith.muli %scan3A_83, %mul3A_90 : i32
        %add3A_92 = arith.addi %multiple_of3A, %mul3A_91 : i32
        %add3A_93 = vector.broadcast %add3A_92 : i32 to vector<16xi32>
        %add3A_94 = arith.addi %add3A_93, %iota3A : vector<16xi32>
        %ge3A = vector.broadcast %reduce_sum3A_26 : i32 to vector<16xi32>
        %ge3A_95 = arith.cmpi sge, %add3A_94, %ge3A : vector<16xi32>
        %lt3A = vector.broadcast %reduce_sum3A_36 : i32 to vector<16xi32>
        %lt3A_96 = arith.cmpi slt, %add3A_94, %lt3A : vector<16xi32>
        %and3A = arith.andi %ge3A_95, %lt3A_96 : vector<16xi1>
        %mul3A_97 = arith.constant 4 : i32
        %mul3A_98 = vector.broadcast %mul3A_97 : i32 to vector<16xi32>
        %mul3A_99 = arith.muli %get3A_89, %mul3A_98 : vector<16xi32>
        %sub3A = vector.broadcast %mul3A_44 : i32 to vector<16xi32>
        %sub3A_100 = arith.subi %mul3A_99, %sub3A : vector<16xi32>
        %add3A_101 = arith.addi %sub3A_100, %mul3A_47 : vector<16xi32>
        %add3A_102 = arith.constant 0 : i32
        %add3A_103 = vector.broadcast %add3A_102 : i32 to vector<16xi32>
        %add3A_104 = arith.addi %add3A_101, %add3A_103 : vector<16xi32>
        %gather3A = tpu.vector_load_idx %arg15[%add3A_104] masked %and3A : memref<50176xf32, #tpu.memory_space<vmem>>[vector<16xi32>], vector<16xf32>, vector<16xi1>
        %add3A_105 = arith.constant 0 : i32
        %add3A_106 = vector.broadcast %add3A_105 : i32 to vector<16xi32>
        %add3A_107 = arith.addi %add3A_101, %add3A_106 : vector<16xi32>
        %get3A_108 = arith.index_cast %multiple_of3A_87 : i32 to index
        %get3A_109 = tpu.vector_load %arg11[%get3A_108] {strides = array<i32>} : memref<512xf32, #tpu.memory_space<vmem>>, vector<16xf32>,
        %max3A_110 = arith.maximumf %gather3A, %get3A_109 : vector<16xf32>
        tpu.vector_store_idx %arg15[%add3A_107], %max3A_110 masked %and3A : memref<50176xf32, #tpu.memory_space<vmem>>[vector<16xi32>], vector<16xf32>, vector<16xi1>
        %add3A_111 = arith.constant 1 : i32
        %add3A_112 = vector.broadcast %add3A_111 : i32 to vector<16xi32>
        %add3A_113 = arith.addi %add3A_101, %add3A_112 : vector<16xi32>
        %gather3A_114 = tpu.vector_load_idx %arg15[%add3A_113] masked %and3A : memref<50176xf32, #tpu.memory_space<vmem>>[vector<16xi32>], vector<16xf32>, vector<16xi1>
        %add3A_115 = arith.constant 1 : i32
        %add3A_116 = vector.broadcast %add3A_115 : i32 to vector<16xi32>
        %add3A_117 = arith.addi %add3A_101, %add3A_116 : vector<16xi32>
        %get3A_118 = arith.index_cast %multiple_of3A_87 : i32 to index
        %get3A_119 = tpu.vector_load %arg12[%get3A_118] {strides = array<i32>} : memref<512xf32, #tpu.memory_space<vmem>>, vector<16xf32>,
        %max3A_120 = arith.maximumf %gather3A_114, %get3A_119 : vector<16xf32>
        tpu.vector_store_idx %arg15[%add3A_117], %max3A_120 masked %and3A : memref<50176xf32, #tpu.memory_space<vmem>>[vector<16xi32>], vector<16xf32>, vector<16xi1>
        %add3A_121 = arith.constant 2 : i32
        %add3A_122 = vector.broadcast %add3A_121 : i32 to vector<16xi32>
        %add3A_123 = arith.addi %add3A_101, %add3A_122 : vector<16xi32>
        %gather3A_124 = tpu.vector_load_idx %arg15[%add3A_123] masked %and3A : memref<50176xf32, #tpu.memory_space<vmem>>[vector<16xi32>], vector<16xf32>, vector<16xi1>
        %add3A_125 = arith.constant 2 : i32
        %add3A_126 = vector.broadcast %add3A_125 : i32 to vector<16xi32>
        %add3A_127 = arith.addi %add3A_101, %add3A_126 : vector<16xi32>
        %get3A_128 = arith.index_cast %multiple_of3A_87 : i32 to index
        %get3A_129 = tpu.vector_load %arg13[%get3A_128] {strides = array<i32>} : memref<512xf32, #tpu.memory_space<vmem>>, vector<16xf32>,
        %max3A_130 = arith.maximumf %gather3A_124, %get3A_129 : vector<16xf32>
        tpu.vector_store_idx %arg15[%add3A_127], %max3A_130 masked %and3A : memref<50176xf32, #tpu.memory_space<vmem>>[vector<16xi32>], vector<16xf32>, vector<16xi1>
        %add3A_131 = arith.constant 3 : i32
        %add3A_132 = vector.broadcast %add3A_131 : i32 to vector<16xi32>
        %add3A_133 = arith.addi %add3A_101, %add3A_132 : vector<16xi32>
        %gather3A_134 = tpu.vector_load_idx %arg15[%add3A_133] masked %and3A : memref<50176xf32, #tpu.memory_space<vmem>>[vector<16xi32>], vector<16xf32>, vector<16xi1>
        %add3A_135 = arith.constant 3 : i32
        %add3A_136 = vector.broadcast %add3A_135 : i32 to vector<16xi32>
        %add3A_137 = arith.addi %add3A_101, %add3A_136 : vector<16xi32>
        %get3A_138 = arith.index_cast %multiple_of3A_87 : i32 to index
        %get3A_139 = tpu.vector_load %arg14[%get3A_138] {strides = array<i32>} : memref<512xf32, #tpu.memory_space<vmem>>, vector<16xf32>,
        %max3A_140 = arith.maximumf %gather3A_134, %get3A_139 : vector<16xf32>
        tpu.vector_store_idx %arg15[%add3A_137], %max3A_140 masked %and3A : memref<50176xf32, #tpu.memory_space<vmem>>[vector<16xi32>], vector<16xf32>, vector<16xi1>
        %scan3A_141 = arith.constant 0 : i32
        scf.yield %scan3A_141 : i32
      }
      %scan3A_81 = arith.constant 32 : i32
      %while3A_82 = arith.constant 0 : i32
      scf.yield %while3A_82 : i32
    }
    %scan3A_59 = arith.constant 0 : i32
    %scan3A_60 = arith.constant 0 : i32
    %scan3A_61 = arith.constant 196 : i32
    %scan3A_62 = arith.addi %scan3A_60, %scan3A_61 : i32
    %scan3A_63 = arith.constant 1 : i32
    %scan3A_64 = scf.for %scan3A_68 = %scan3A_60 to %scan3A_62 step %scan3A_63 iter_args(%scan3A_69 = %scan3A_59) -> (i32)  : i32 {
      %mul3A_70 = arith.constant 16 : i32
      %mul3A_71 = arith.muli %scan3A_68, %mul3A_70 : i32
      %get3A_72 = arith.index_cast %mul3A_71 : i32 to index
      %get3A_73 = tpu.vector_load %arg15[%get3A_72] {strides = array<i32>} : memref<50176xf32, #tpu.memory_space<vmem>>, vector<16xf32>,
      %mul3A_74 = arith.constant 16 : i32
      %mul3A_75 = arith.muli %scan3A_68, %mul3A_74 : i32
      %add3A_76 = arith.constant 3136 : i32
      %add3A_77 = arith.addi %add3A_76, %mul3A_75 : i32
      %get3A_78 = arith.index_cast %add3A_77 : i32 to index
      %get3A_79 = tpu.vector_load %arg15[%get3A_78] {strides = array<i32>} : memref<50176xf32, #tpu.memory_space<vmem>>, vector<16xf32>,
      %max3A = arith.maximumf %get3A_73, %get3A_79 : vector<16xf32>
      %mul3A_80 = arith.constant 16 : i32
      %mul3A_81 = arith.muli %scan3A_68, %mul3A_80 : i32
      %add3A_82 = arith.constant 6272 : i32
      %add3A_83 = arith.addi %add3A_82, %mul3A_81 : i32
      %get3A_84 = arith.index_cast %add3A_83 : i32 to index
      %get3A_85 = tpu.vector_load %arg15[%get3A_84] {strides = array<i32>} : memref<50176xf32, #tpu.memory_space<vmem>>, vector<16xf32>,
      %max3A_86 = arith.maximumf %max3A, %get3A_85 : vector<16xf32>
      %mul3A_87 = arith.constant 16 : i32
      %mul3A_88 = arith.muli %scan3A_68, %mul3A_87 : i32
      %add3A_89 = arith.constant 9408 : i32
      %add3A_90 = arith.addi %add3A_89, %mul3A_88 : i32
      %get3A_91 = arith.index_cast %add3A_90 : i32 to index
      %get3A_92 = tpu.vector_load %arg15[%get3A_91] {strides = array<i32>} : memref<50176xf32, #tpu.memory_space<vmem>>, vector<16xf32>,
      %max3A_93 = arith.maximumf %max3A_86, %get3A_92 : vector<16xf32>
      %mul3A_94 = arith.constant 16 : i32
      %mul3A_95 = arith.muli %scan3A_68, %mul3A_94 : i32
      %add3A_96 = arith.constant 12544 : i32
      %add3A_97 = arith.addi %add3A_96, %mul3A_95 : i32
      %get3A_98 = arith.index_cast %add3A_97 : i32 to index
      %get3A_99 = tpu.vector_load %arg15[%get3A_98] {strides = array<i32>} : memref<50176xf32, #tpu.memory_space<vmem>>, vector<16xf32>,
      %max3A_100 = arith.maximumf %max3A_93, %get3A_99 : vector<16xf32>
      %mul3A_101 = arith.constant 16 : i32
      %mul3A_102 = arith.muli %scan3A_68, %mul3A_101 : i32
      %add3A_103 = arith.constant 15680 : i32
      %add3A_104 = arith.addi %add3A_103, %mul3A_102 : i32
      %get3A_105 = arith.index_cast %add3A_104 : i32 to index
      %get3A_106 = tpu.vector_load %arg15[%get3A_105] {strides = array<i32>} : memref<50176xf32, #tpu.memory_space<vmem>>, vector<16xf32>,
      %max3A_107 = arith.maximumf %max3A_100, %get3A_106 : vector<16xf32>
      %mul3A_108 = arith.constant 16 : i32
      %mul3A_109 = arith.muli %scan3A_68, %mul3A_108 : i32
      %add3A_110 = arith.constant 18816 : i32
      %add3A_111 = arith.addi %add3A_110, %mul3A_109 : i32
      %get3A_112 = arith.index_cast %add3A_111 : i32 to index
      %get3A_113 = tpu.vector_load %arg15[%get3A_112] {strides = array<i32>} : memref<50176xf32, #tpu.memory_space<vmem>>, vector<16xf32>,
      %max3A_114 = arith.maximumf %max3A_107, %get3A_113 : vector<16xf32>
      %mul3A_115 = arith.constant 16 : i32
      %mul3A_116 = arith.muli %scan3A_68, %mul3A_115 : i32
      %add3A_117 = arith.constant 21952 : i32
      %add3A_118 = arith.addi %add3A_117, %mul3A_116 : i32
      %get3A_119 = arith.index_cast %add3A_118 : i32 to index
      %get3A_120 = tpu.vector_load %arg15[%get3A_119] {strides = array<i32>} : memref<50176xf32, #tpu.memory_space<vmem>>, vector<16xf32>,
      %max3A_121 = arith.maximumf %max3A_114, %get3A_120 : vector<16xf32>
      %mul3A_122 = arith.constant 16 : i32
      %mul3A_123 = arith.muli %scan3A_68, %mul3A_122 : i32
      %add3A_124 = arith.constant 25088 : i32
      %add3A_125 = arith.addi %add3A_124, %mul3A_123 : i32
      %get3A_126 = arith.index_cast %add3A_125 : i32 to index
      %get3A_127 = tpu.vector_load %arg15[%get3A_126] {strides = array<i32>} : memref<50176xf32, #tpu.memory_space<vmem>>, vector<16xf32>,
      %max3A_128 = arith.maximumf %max3A_121, %get3A_127 : vector<16xf32>
      %mul3A_129 = arith.constant 16 : i32
      %mul3A_130 = arith.muli %scan3A_68, %mul3A_129 : i32
      %add3A_131 = arith.constant 28224 : i32
      %add3A_132 = arith.addi %add3A_131, %mul3A_130 : i32
      %get3A_133 = arith.index_cast %add3A_132 : i32 to index
      %get3A_134 = tpu.vector_load %arg15[%get3A_133] {strides = array<i32>} : memref<50176xf32, #tpu.memory_space<vmem>>, vector<16xf32>,
      %max3A_135 = arith.maximumf %max3A_128, %get3A_134 : vector<16xf32>
      %mul3A_136 = arith.constant 16 : i32
      %mul3A_137 = arith.muli %scan3A_68, %mul3A_136 : i32
      %add3A_138 = arith.constant 31360 : i32
      %add3A_139 = arith.addi %add3A_138, %mul3A_137 : i32
      %get3A_140 = arith.index_cast %add3A_139 : i32 to index
      %get3A_141 = tpu.vector_load %arg15[%get3A_140] {strides = array<i32>} : memref<50176xf32, #tpu.memory_space<vmem>>, vector<16xf32>,
      %max3A_142 = arith.maximumf %max3A_135, %get3A_141 : vector<16xf32>
      %mul3A_143 = arith.constant 16 : i32
      %mul3A_144 = arith.muli %scan3A_68, %mul3A_143 : i32
      %add3A_145 = arith.constant 34496 : i32
      %add3A_146 = arith.addi %add3A_145, %mul3A_144 : i32
      %get3A_147 = arith.index_cast %add3A_146 : i32 to index
      %get3A_148 = tpu.vector_load %arg15[%get3A_147] {strides = array<i32>} : memref<50176xf32, #tpu.memory_space<vmem>>, vector<16xf32>,
      %max3A_149 = arith.maximumf %max3A_142, %get3A_148 : vector<16xf32>
      %mul3A_150 = arith.constant 16 : i32
      %mul3A_151 = arith.muli %scan3A_68, %mul3A_150 : i32
      %add3A_152 = arith.constant 37632 : i32
      %add3A_153 = arith.addi %add3A_152, %mul3A_151 : i32
      %get3A_154 = arith.index_cast %add3A_153 : i32 to index
      %get3A_155 = tpu.vector_load %arg15[%get3A_154] {strides = array<i32>} : memref<50176xf32, #tpu.memory_space<vmem>>, vector<16xf32>,
      %max3A_156 = arith.maximumf %max3A_149, %get3A_155 : vector<16xf32>
      %mul3A_157 = arith.constant 16 : i32
      %mul3A_158 = arith.muli %scan3A_68, %mul3A_157 : i32
      %add3A_159 = arith.constant 40768 : i32
      %add3A_160 = arith.addi %add3A_159, %mul3A_158 : i32
      %get3A_161 = arith.index_cast %add3A_160 : i32 to index
      %get3A_162 = tpu.vector_load %arg15[%get3A_161] {strides = array<i32>} : memref<50176xf32, #tpu.memory_space<vmem>>, vector<16xf32>,
      %max3A_163 = arith.maximumf %max3A_156, %get3A_162 : vector<16xf32>
      %mul3A_164 = arith.constant 16 : i32
      %mul3A_165 = arith.muli %scan3A_68, %mul3A_164 : i32
      %add3A_166 = arith.constant 43904 : i32
      %add3A_167 = arith.addi %add3A_166, %mul3A_165 : i32
      %get3A_168 = arith.index_cast %add3A_167 : i32 to index
      %get3A_169 = tpu.vector_load %arg15[%get3A_168] {strides = array<i32>} : memref<50176xf32, #tpu.memory_space<vmem>>, vector<16xf32>,
      %max3A_170 = arith.maximumf %max3A_163, %get3A_169 : vector<16xf32>
      %mul3A_171 = arith.constant 16 : i32
      %mul3A_172 = arith.muli %scan3A_68, %mul3A_171 : i32
      %add3A_173 = arith.constant 47040 : i32
      %add3A_174 = arith.addi %add3A_173, %mul3A_172 : i32
      %get3A_175 = arith.index_cast %add3A_174 : i32 to index
      %get3A_176 = tpu.vector_load %arg15[%get3A_175] {strides = array<i32>} : memref<50176xf32, #tpu.memory_space<vmem>>, vector<16xf32>,
      %max3A_177 = arith.maximumf %max3A_170, %get3A_176 : vector<16xf32>
      %mul3A_178 = arith.constant 16 : i32
      %mul3A_179 = arith.muli %scan3A_68, %mul3A_178 : i32
      %swap3A = arith.index_cast %mul3A_179 : i32 to index
      %swap3A_180 = tpu.vector_load %arg16[%swap3A] {strides = array<i32>} : memref<3136xf32, #tpu.memory_space<vmem>>, vector<16xf32>,
      tpu.vector_store %arg16[%swap3A], %max3A_177 {strides = array<i32>} : memref<3136xf32, #tpu.memory_space<vmem>>, vector<16xf32>,
      %scan3A_181 = arith.constant 0 : i32
      scf.yield %scan3A_181 : i32
    }
    %scan3A_65 = arith.constant 196 : i32
    %mul3A_66 = arith.constant 3136 : i32
    %mul3A_67 = arith.muli %add3A, %mul3A_66 : i32
    "tpu.region"() ({
      %run_scoped3A = tpu.sem_alloc : memref<!tpu.dma_semaphore, #tpu.memory_space<semaphore_mem>>
      %dma_start3A = tpu.memref_slice %arg8[%mul3A_67] : memref<100352xf32, #tpu.memory_space<hbm>> -> memref<3136xf32, #tpu.memory_space<hbm>>
      %dma_start3A_68 = tpu.memref_slice %arg8[%mul3A_67] : memref<100352xf32, #tpu.memory_space<hbm>> -> memref<3136xf32, #tpu.memory_space<hbm>>
      tpu.enqueue_dma source(%arg16 : memref<3136xf32, #tpu.memory_space<vmem>>) target(%dma_start3A_68 : memref<3136xf32, #tpu.memory_space<hbm>>) target_semaphore(%run_scoped3A : memref<!tpu.dma_semaphore, #tpu.memory_space<semaphore_mem>>)
      %dma_wait3A = tpu.memref_slice %arg8[%mul3A_67] : memref<100352xf32, #tpu.memory_space<hbm>> -> memref<3136xf32, #tpu.memory_space<hbm>>
      %dma_wait3A_69 = tpu.memref_slice %arg8[%mul3A_67] : memref<100352xf32, #tpu.memory_space<hbm>> -> memref<3136xf32, #tpu.memory_space<hbm>>
      tpu.wait_dma2 semaphore(%run_scoped3A : memref<!tpu.dma_semaphore, #tpu.memory_space<semaphore_mem>>) src(%arg16 : memref<3136xf32, #tpu.memory_space<vmem>>) dst(%dma_wait3A_69 : memref<3136xf32, #tpu.memory_space<hbm>>)
      tpu.yield
    }) : () -> ()
    return
  }
}

module attributes {stable_mosaic.version = 14 : i64} {
  func.func @_norm_body(%arg0: i32, %arg1: memref<32x8192xf32, #tpu.memory_space<vmem>>, %arg2: memref<8192xf32, #tpu.memory_space<vmem>>, %arg3: memref<8192xf32, #tpu.memory_space<vmem>>, %arg4: memref<8192xf32, #tpu.memory_space<vmem>>, %arg5: memref<8192xf32, #tpu.memory_space<vmem>>) attributes {dimension_semantics = [#tpu.dimension_semantics<arbitrary>], iteration_bounds = array<i64: 196>, scalar_prefetch = 0 : i64, scratch_operands = 0 : i64, tpu.core_type = #tpu.core_type<tc>, window_params = [{transform_indices = @transform_0, window_bounds = array<i64: 32, 8192>}, {transform_indices = @transform_1, window_bounds = array<i64: 8192>}, {transform_indices = @transform_2, window_bounds = array<i64: 8192>}, {transform_indices = @transform_3, window_bounds = array<i64: 8192>}, {transform_indices = @transform_4, window_bounds = array<i64: 8192>}]} {
    %get3A = arith.constant 0 : index
    %get3A_0 = arith.constant 0 : index
    %get3A_1 = vector.load %arg1[%get3A, %get3A_0] : memref<32x8192xf32, #tpu.memory_space<vmem>>, vector<32x8192xf32>
    %mul3A = arith.mulf %get3A_1, %get3A_1 : vector<32x8192xf32>
    %slice3A = vector.extract_strided_slice %mul3A {offsets = [0, 0], sizes = [8, 8192], strides = [1, 1]} : vector<32x8192xf32> to vector<8x8192xf32>
    %reduce_sum3A = arith.constant dense<0.000000e+00> : vector<8192xf32>
    %reduce_sum3A_2 = vector.multi_reduction <add>, %slice3A, %reduce_sum3A [0] : vector<8x8192xf32> to vector<8192xf32>
    %swap3A = arith.constant 0 : index
    %swap3A_3 = vector.load %arg2[%swap3A] : memref<8192xf32, #tpu.memory_space<vmem>>, vector<8192xf32>
    tpu.vector_store %arg2[%swap3A], %reduce_sum3A_2 {strides = array<i32>} : memref<8192xf32, #tpu.memory_space<vmem>>, vector<8192xf32>,
    %slice3A_4 = vector.extract_strided_slice %mul3A {offsets = [8, 0], sizes = [8, 8192], strides = [1, 1]} : vector<32x8192xf32> to vector<8x8192xf32>
    %reduce_sum3A_5 = arith.constant dense<0.000000e+00> : vector<8192xf32>
    %reduce_sum3A_6 = vector.multi_reduction <add>, %slice3A_4, %reduce_sum3A_5 [0] : vector<8x8192xf32> to vector<8192xf32>
    %swap3A_7 = arith.constant 0 : index
    %swap3A_8 = vector.load %arg3[%swap3A_7] : memref<8192xf32, #tpu.memory_space<vmem>>, vector<8192xf32>
    tpu.vector_store %arg3[%swap3A_7], %reduce_sum3A_6 {strides = array<i32>} : memref<8192xf32, #tpu.memory_space<vmem>>, vector<8192xf32>,
    %slice3A_9 = vector.extract_strided_slice %mul3A {offsets = [16, 0], sizes = [8, 8192], strides = [1, 1]} : vector<32x8192xf32> to vector<8x8192xf32>
    %reduce_sum3A_10 = arith.constant dense<0.000000e+00> : vector<8192xf32>
    %reduce_sum3A_11 = vector.multi_reduction <add>, %slice3A_9, %reduce_sum3A_10 [0] : vector<8x8192xf32> to vector<8192xf32>
    %swap3A_12 = arith.constant 0 : index
    %swap3A_13 = vector.load %arg4[%swap3A_12] : memref<8192xf32, #tpu.memory_space<vmem>>, vector<8192xf32>
    tpu.vector_store %arg4[%swap3A_12], %reduce_sum3A_11 {strides = array<i32>} : memref<8192xf32, #tpu.memory_space<vmem>>, vector<8192xf32>,
    %slice3A_14 = vector.extract_strided_slice %mul3A {offsets = [24, 0], sizes = [8, 8192], strides = [1, 1]} : vector<32x8192xf32> to vector<8x8192xf32>
    %reduce_sum3A_15 = arith.constant dense<0.000000e+00> : vector<8192xf32>
    %reduce_sum3A_16 = vector.multi_reduction <add>, %slice3A_14, %reduce_sum3A_15 [0] : vector<8x8192xf32> to vector<8192xf32>
    %swap3A_17 = arith.constant 0 : index
    %swap3A_18 = vector.load %arg5[%swap3A_17] : memref<8192xf32, #tpu.memory_space<vmem>>, vector<8192xf32>
    tpu.vector_store %arg5[%swap3A_17], %reduce_sum3A_16 {strides = array<i32>} : memref<8192xf32, #tpu.memory_space<vmem>>, vector<8192xf32>,
    return
  }
  func.func @transform_0(%arg0: i32) -> (i32, i32) {
    %c0_i32 = arith.constant 0 : i32
    %c0_i32_0 = arith.constant 0 : i32
    return %c0_i32, %arg0 : i32, i32
  }
  func.func @transform_1(%arg0: i32) -> i32 {
    %c0_i32 = arith.constant 0 : i32
    return %arg0 : i32
  }
  func.func @transform_2(%arg0: i32) -> i32 {
    %c0_i32 = arith.constant 0 : i32
    return %arg0 : i32
  }
  func.func @transform_3(%arg0: i32) -> i32 {
    %c0_i32 = arith.constant 0 : i32
    return %arg0 : i32
  }
  func.func @transform_4(%arg0: i32) -> i32 {
    %c0_i32 = arith.constant 0 : i32
    return %arg0 : i32
  }
}

module attributes {stable_mosaic.version = 14 : i64} {
  func.func @_final_body(%arg0: i32, %arg1: memref<400x128xf32, #tpu.memory_space<vmem>>, %arg2: memref<400x128xf32, #tpu.memory_space<vmem>>, %arg3: memref<1x4x8xf32, #tpu.memory_space<vmem>>, %arg4: memref<1x4x8xf32, #tpu.memory_space<vmem>>, %arg5: memref<400x128xf32, #tpu.memory_space<vmem>>) attributes {dimension_semantics = [#tpu.dimension_semantics<arbitrary>], iteration_bounds = array<i64: 125>, scalar_prefetch = 0 : i64, scratch_operands = 0 : i64, tpu.core_type = #tpu.core_type<tc>, window_params = [{transform_indices = @transform_0, window_bounds = array<i64: 400, 128>}, {transform_indices = @transform_1, window_bounds = array<i64: 400, 128>}, {pipeline_mode = #tpu.pipeline_mode<synchronous>, transform_indices = @transform_2, window_bounds = array<i64: 1, 4, 8>}, {pipeline_mode = #tpu.pipeline_mode<synchronous>, transform_indices = @transform_3, window_bounds = array<i64: 1, 4, 8>}, {transform_indices = @transform_4, window_bounds = array<i64: 400, 128>}]} {
    %get3A = arith.constant 0 : index
    %get3A_0 = arith.constant 0 : index
    %get3A_1 = arith.constant 0 : index
    %get3A_2 = vector.load %arg3[%get3A, %get3A_0, %get3A_1] : memref<1x4x8xf32, #tpu.memory_space<vmem>>, vector<1x4x8xf32>
    %get3A_3 = arith.constant 0 : index
    %get3A_4 = arith.constant 0 : index
    %get3A_5 = arith.constant 0 : index
    %get3A_6 = vector.load %arg4[%get3A_3, %get3A_4, %get3A_5] : memref<1x4x8xf32, #tpu.memory_space<vmem>>, vector<1x4x8xf32>
    %iota3A = tpu.iota {dimensions = array<i32: 0>} : vector<400x128xi32>
    %jit3A = arith.constant 4 : i32
    %eq3A = arith.constant 0 : i32
    %eq3A_7 = arith.cmpi eq, %jit3A, %eq3A : i32
    %jit3A_8 = arith.constant 1 : i32
    %select_n3A = arith.select %eq3A_7, %jit3A_8, %jit3A : i32
    %rem3A = vector.broadcast %select_n3A : i32 to vector<400x128xi32>
    %rem3A_9 = arith.remsi %iota3A, %rem3A : vector<400x128xi32>
    %ne3A = arith.constant 0 : i32
    %ne3A_10 = vector.broadcast %ne3A : i32 to vector<400x128xi32>
    %ne3A_11 = arith.cmpi ne, %rem3A_9, %ne3A_10 : vector<400x128xi32>
    %lt3A = arith.constant 0 : i32
    %lt3A_12 = vector.broadcast %lt3A : i32 to vector<400x128xi32>
    %lt3A_13 = arith.cmpi slt, %rem3A_9, %lt3A_12 : vector<400x128xi32>
    %lt3A_14 = arith.constant 0 : i32
    %lt3A_15 = arith.cmpi slt, %select_n3A, %lt3A_14 : i32
    %ne3A_16 = vector.broadcast %lt3A_15 : i1 to vector<400x128xi1>
    %ne3A_17 = vector.broadcast %ne3A_16 : vector<400x128xi1> to vector<400x128xi1>
    %ne3A_18 = arith.xori %lt3A_13, %ne3A_17 : vector<400x128xi1>
    %and3A = arith.andi %ne3A_18, %ne3A_11 : vector<400x128xi1>
    %add3A = vector.broadcast %select_n3A : i32 to vector<400x128xi32>
    %add3A_19 = arith.addi %rem3A_9, %add3A : vector<400x128xi32>
    %select_n3A_20 = arith.select %and3A, %add3A_19, %rem3A_9 : vector<400x128xi1>, vector<400x128xi32>
    %broadcast_in_dim3A = arith.constant 0.000000e+00 : f32
    %broadcast_in_dim3A_21 = vector.broadcast %broadcast_in_dim3A : f32 to vector<400x128xf32>
    %slice3A = vector.extract_strided_slice %get3A_2 {offsets = [0, 0, 0], sizes = [1, 1, 8], strides = [1, 1, 1]} : vector<1x4x8xf32> to vector<1x1x8xf32>
    %squeeze3A = vector.shape_cast %slice3A : vector<1x1x8xf32> to vector<8xf32>
    %slice3A_22 = vector.extract_strided_slice %get3A_2 {offsets = [0, 0, 0], sizes = [1, 1, 8], strides = [1, 1, 1]} : vector<1x4x8xf32> to vector<1x1x8xf32>
    %squeeze3A_23 = vector.shape_cast %slice3A_22 : vector<1x1x8xf32> to vector<8xf32>
    %mul3A = arith.mulf %squeeze3A, %squeeze3A_23 : vector<8xf32>
    %reduce_sum3A = vector.shape_cast %mul3A : vector<8xf32> to vector<1x8xf32>
    %reduce_sum3A_24 = arith.constant dense<0.000000e+00> : vector<1xf32>
    %reduce_sum3A_25 = vector.multi_reduction <add>, %reduce_sum3A, %reduce_sum3A_24 [1] : vector<1x8xf32> to vector<1xf32>
    %reduce_sum3A_26 = vector.shape_cast %reduce_sum3A_25 : vector<1xf32> to vector<1x1xf32>
    %reduce_sum3A_27 = vector.extract %reduce_sum3A_26[0, 0] : f32 from vector<1x1xf32>
    %slice3A_28 = vector.extract_strided_slice %get3A_6 {offsets = [0, 0, 0], sizes = [1, 1, 8], strides = [1, 1, 1]} : vector<1x4x8xf32> to vector<1x1x8xf32>
    %squeeze3A_29 = vector.shape_cast %slice3A_28 : vector<1x1x8xf32> to vector<8xf32>
    %slice3A_30 = vector.extract_strided_slice %get3A_6 {offsets = [0, 0, 0], sizes = [1, 1, 8], strides = [1, 1, 1]} : vector<1x4x8xf32> to vector<1x1x8xf32>
    %squeeze3A_31 = vector.shape_cast %slice3A_30 : vector<1x1x8xf32> to vector<8xf32>
    %mul3A_32 = arith.mulf %squeeze3A_29, %squeeze3A_31 : vector<8xf32>
    %reduce_sum3A_33 = vector.shape_cast %mul3A_32 : vector<8xf32> to vector<1x8xf32>
    %reduce_sum3A_34 = arith.constant dense<0.000000e+00> : vector<1xf32>
    %reduce_sum3A_35 = vector.multi_reduction <add>, %reduce_sum3A_33, %reduce_sum3A_34 [1] : vector<1x8xf32> to vector<1xf32>
    %reduce_sum3A_36 = vector.shape_cast %reduce_sum3A_35 : vector<1xf32> to vector<1x1xf32>
    %reduce_sum3A_37 = vector.extract %reduce_sum3A_36[0, 0] : f32 from vector<1x1xf32>
    %add3A_38 = arith.addf %reduce_sum3A_27, %reduce_sum3A_37 : f32
    %eq3A_39 = arith.constant 0 : i32
    %eq3A_40 = vector.broadcast %eq3A_39 : i32 to vector<400x128xi32>
    %eq3A_41 = arith.cmpi eq, %select_n3A_20, %eq3A_40 : vector<400x128xi32>
    %sqrt3A = math.sqrt %add3A_38 : f32
    %mul3A_42 = arith.constant 4.000000e+00 : f32
    %mul3A_43 = arith.mulf %mul3A_42, %sqrt3A : f32
    %broadcast_in_dim3A_44 = vector.broadcast %mul3A_43 : f32 to vector<400x128xf32>
    %select_n3A_45 = arith.select %eq3A_41, %broadcast_in_dim3A_44, %broadcast_in_dim3A_21 : vector<400x128xi1>, vector<400x128xf32>
    %slice3A_46 = vector.extract_strided_slice %get3A_2 {offsets = [0, 1, 0], sizes = [1, 1, 8], strides = [1, 1, 1]} : vector<1x4x8xf32> to vector<1x1x8xf32>
    %squeeze3A_47 = vector.shape_cast %slice3A_46 : vector<1x1x8xf32> to vector<8xf32>
    %slice3A_48 = vector.extract_strided_slice %get3A_2 {offsets = [0, 1, 0], sizes = [1, 1, 8], strides = [1, 1, 1]} : vector<1x4x8xf32> to vector<1x1x8xf32>
    %squeeze3A_49 = vector.shape_cast %slice3A_48 : vector<1x1x8xf32> to vector<8xf32>
    %mul3A_50 = arith.mulf %squeeze3A_47, %squeeze3A_49 : vector<8xf32>
    %reduce_sum3A_51 = vector.shape_cast %mul3A_50 : vector<8xf32> to vector<1x8xf32>
    %reduce_sum3A_52 = arith.constant dense<0.000000e+00> : vector<1xf32>
    %reduce_sum3A_53 = vector.multi_reduction <add>, %reduce_sum3A_51, %reduce_sum3A_52 [1] : vector<1x8xf32> to vector<1xf32>
    %reduce_sum3A_54 = vector.shape_cast %reduce_sum3A_53 : vector<1xf32> to vector<1x1xf32>
    %reduce_sum3A_55 = vector.extract %reduce_sum3A_54[0, 0] : f32 from vector<1x1xf32>
    %slice3A_56 = vector.extract_strided_slice %get3A_6 {offsets = [0, 1, 0], sizes = [1, 1, 8], strides = [1, 1, 1]} : vector<1x4x8xf32> to vector<1x1x8xf32>
    %squeeze3A_57 = vector.shape_cast %slice3A_56 : vector<1x1x8xf32> to vector<8xf32>
    %slice3A_58 = vector.extract_strided_slice %get3A_6 {offsets = [0, 1, 0], sizes = [1, 1, 8], strides = [1, 1, 1]} : vector<1x4x8xf32> to vector<1x1x8xf32>
    %squeeze3A_59 = vector.shape_cast %slice3A_58 : vector<1x1x8xf32> to vector<8xf32>
    %mul3A_60 = arith.mulf %squeeze3A_57, %squeeze3A_59 : vector<8xf32>
    %reduce_sum3A_61 = vector.shape_cast %mul3A_60 : vector<8xf32> to vector<1x8xf32>
    %reduce_sum3A_62 = arith.constant dense<0.000000e+00> : vector<1xf32>
    %reduce_sum3A_63 = vector.multi_reduction <add>, %reduce_sum3A_61, %reduce_sum3A_62 [1] : vector<1x8xf32> to vector<1xf32>
    %reduce_sum3A_64 = vector.shape_cast %reduce_sum3A_63 : vector<1xf32> to vector<1x1xf32>
    %reduce_sum3A_65 = vector.extract %reduce_sum3A_64[0, 0] : f32 from vector<1x1xf32>
    %add3A_66 = arith.addf %reduce_sum3A_55, %reduce_sum3A_65 : f32
    %eq3A_67 = arith.constant 1 : i32
    %eq3A_68 = vector.broadcast %eq3A_67 : i32 to vector<400x128xi32>
    %eq3A_69 = arith.cmpi eq, %select_n3A_20, %eq3A_68 : vector<400x128xi32>
    %sqrt3A_70 = math.sqrt %add3A_66 : f32
    %mul3A_71 = arith.constant 4.000000e+00 : f32
    %mul3A_72 = arith.mulf %mul3A_71, %sqrt3A_70 : f32
    %broadcast_in_dim3A_73 = vector.broadcast %mul3A_72 : f32 to vector<400x128xf32>
    %select_n3A_74 = arith.select %eq3A_69, %broadcast_in_dim3A_73, %select_n3A_45 : vector<400x128xi1>, vector<400x128xf32>
    %slice3A_75 = vector.extract_strided_slice %get3A_2 {offsets = [0, 2, 0], sizes = [1, 1, 8], strides = [1, 1, 1]} : vector<1x4x8xf32> to vector<1x1x8xf32>
    %squeeze3A_76 = vector.shape_cast %slice3A_75 : vector<1x1x8xf32> to vector<8xf32>
    %slice3A_77 = vector.extract_strided_slice %get3A_2 {offsets = [0, 2, 0], sizes = [1, 1, 8], strides = [1, 1, 1]} : vector<1x4x8xf32> to vector<1x1x8xf32>
    %squeeze3A_78 = vector.shape_cast %slice3A_77 : vector<1x1x8xf32> to vector<8xf32>
    %mul3A_79 = arith.mulf %squeeze3A_76, %squeeze3A_78 : vector<8xf32>
    %reduce_sum3A_80 = vector.shape_cast %mul3A_79 : vector<8xf32> to vector<1x8xf32>
    %reduce_sum3A_81 = arith.constant dense<0.000000e+00> : vector<1xf32>
    %reduce_sum3A_82 = vector.multi_reduction <add>, %reduce_sum3A_80, %reduce_sum3A_81 [1] : vector<1x8xf32> to vector<1xf32>
    %reduce_sum3A_83 = vector.shape_cast %reduce_sum3A_82 : vector<1xf32> to vector<1x1xf32>
    %reduce_sum3A_84 = vector.extract %reduce_sum3A_83[0, 0] : f32 from vector<1x1xf32>
    %slice3A_85 = vector.extract_strided_slice %get3A_6 {offsets = [0, 2, 0], sizes = [1, 1, 8], strides = [1, 1, 1]} : vector<1x4x8xf32> to vector<1x1x8xf32>
    %squeeze3A_86 = vector.shape_cast %slice3A_85 : vector<1x1x8xf32> to vector<8xf32>
    %slice3A_87 = vector.extract_strided_slice %get3A_6 {offsets = [0, 2, 0], sizes = [1, 1, 8], strides = [1, 1, 1]} : vector<1x4x8xf32> to vector<1x1x8xf32>
    %squeeze3A_88 = vector.shape_cast %slice3A_87 : vector<1x1x8xf32> to vector<8xf32>
    %mul3A_89 = arith.mulf %squeeze3A_86, %squeeze3A_88 : vector<8xf32>
    %reduce_sum3A_90 = vector.shape_cast %mul3A_89 : vector<8xf32> to vector<1x8xf32>
    %reduce_sum3A_91 = arith.constant dense<0.000000e+00> : vector<1xf32>
    %reduce_sum3A_92 = vector.multi_reduction <add>, %reduce_sum3A_90, %reduce_sum3A_91 [1] : vector<1x8xf32> to vector<1xf32>
    %reduce_sum3A_93 = vector.shape_cast %reduce_sum3A_92 : vector<1xf32> to vector<1x1xf32>
    %reduce_sum3A_94 = vector.extract %reduce_sum3A_93[0, 0] : f32 from vector<1x1xf32>
    %add3A_95 = arith.addf %reduce_sum3A_84, %reduce_sum3A_94 : f32
    %eq3A_96 = arith.constant 2 : i32
    %eq3A_97 = vector.broadcast %eq3A_96 : i32 to vector<400x128xi32>
    %eq3A_98 = arith.cmpi eq, %select_n3A_20, %eq3A_97 : vector<400x128xi32>
    %sqrt3A_99 = math.sqrt %add3A_95 : f32
    %mul3A_100 = arith.constant 4.000000e+00 : f32
    %mul3A_101 = arith.mulf %mul3A_100, %sqrt3A_99 : f32
    %broadcast_in_dim3A_102 = vector.broadcast %mul3A_101 : f32 to vector<400x128xf32>
    %select_n3A_103 = arith.select %eq3A_98, %broadcast_in_dim3A_102, %select_n3A_74 : vector<400x128xi1>, vector<400x128xf32>
    %slice3A_104 = vector.extract_strided_slice %get3A_2 {offsets = [0, 3, 0], sizes = [1, 1, 8], strides = [1, 1, 1]} : vector<1x4x8xf32> to vector<1x1x8xf32>
    %squeeze3A_105 = vector.shape_cast %slice3A_104 : vector<1x1x8xf32> to vector<8xf32>
    %slice3A_106 = vector.extract_strided_slice %get3A_2 {offsets = [0, 3, 0], sizes = [1, 1, 8], strides = [1, 1, 1]} : vector<1x4x8xf32> to vector<1x1x8xf32>
    %squeeze3A_107 = vector.shape_cast %slice3A_106 : vector<1x1x8xf32> to vector<8xf32>
    %mul3A_108 = arith.mulf %squeeze3A_105, %squeeze3A_107 : vector<8xf32>
    %reduce_sum3A_109 = vector.shape_cast %mul3A_108 : vector<8xf32> to vector<1x8xf32>
    %reduce_sum3A_110 = arith.constant dense<0.000000e+00> : vector<1xf32>
    %reduce_sum3A_111 = vector.multi_reduction <add>, %reduce_sum3A_109, %reduce_sum3A_110 [1] : vector<1x8xf32> to vector<1xf32>
    %reduce_sum3A_112 = vector.shape_cast %reduce_sum3A_111 : vector<1xf32> to vector<1x1xf32>
    %reduce_sum3A_113 = vector.extract %reduce_sum3A_112[0, 0] : f32 from vector<1x1xf32>
    %slice3A_114 = vector.extract_strided_slice %get3A_6 {offsets = [0, 3, 0], sizes = [1, 1, 8], strides = [1, 1, 1]} : vector<1x4x8xf32> to vector<1x1x8xf32>
    %squeeze3A_115 = vector.shape_cast %slice3A_114 : vector<1x1x8xf32> to vector<8xf32>
    %slice3A_116 = vector.extract_strided_slice %get3A_6 {offsets = [0, 3, 0], sizes = [1, 1, 8], strides = [1, 1, 1]} : vector<1x4x8xf32> to vector<1x1x8xf32>
    %squeeze3A_117 = vector.shape_cast %slice3A_116 : vector<1x1x8xf32> to vector<8xf32>
    %mul3A_118 = arith.mulf %squeeze3A_115, %squeeze3A_117 : vector<8xf32>
    %reduce_sum3A_119 = vector.shape_cast %mul3A_118 : vector<8xf32> to vector<1x8xf32>
    %reduce_sum3A_120 = arith.constant dense<0.000000e+00> : vector<1xf32>
    %reduce_sum3A_121 = vector.multi_reduction <add>, %reduce_sum3A_119, %reduce_sum3A_120 [1] : vector<1x8xf32> to vector<1xf32>
    %reduce_sum3A_122 = vector.shape_cast %reduce_sum3A_121 : vector<1xf32> to vector<1x1xf32>
    %reduce_sum3A_123 = vector.extract %reduce_sum3A_122[0, 0] : f32 from vector<1x1xf32>
    %add3A_124 = arith.addf %reduce_sum3A_113, %reduce_sum3A_123 : f32
    %eq3A_125 = arith.constant 3 : i32
    %eq3A_126 = vector.broadcast %eq3A_125 : i32 to vector<400x128xi32>
    %eq3A_127 = arith.cmpi eq, %select_n3A_20, %eq3A_126 : vector<400x128xi32>
    %sqrt3A_128 = math.sqrt %add3A_124 : f32
    %mul3A_129 = arith.constant 4.000000e+00 : f32
    %mul3A_130 = arith.mulf %mul3A_129, %sqrt3A_128 : f32
    %broadcast_in_dim3A_131 = vector.broadcast %mul3A_130 : f32 to vector<400x128xf32>
    %select_n3A_132 = arith.select %eq3A_127, %broadcast_in_dim3A_131, %select_n3A_103 : vector<400x128xi1>, vector<400x128xf32>
    %get3A_133 = arith.constant 0 : index
    %get3A_134 = arith.constant 0 : index
    %get3A_135 = vector.load %arg1[%get3A_133, %get3A_134] : memref<400x128xf32, #tpu.memory_space<vmem>>, vector<400x128xf32>
    %get3A_136 = arith.constant 0 : index
    %get3A_137 = arith.constant 0 : index
    %get3A_138 = vector.load %arg2[%get3A_136, %get3A_137] : memref<400x128xf32, #tpu.memory_space<vmem>>, vector<400x128xf32>
    %sqrt3A_139 = math.sqrt %get3A_138 : vector<400x128xf32>
    %mul3A_140 = arith.mulf %select_n3A_132, %sqrt3A_139 : vector<400x128xf32>
    %add3A_141 = arith.constant 9.99999996E-13 : f32
    %add3A_142 = vector.broadcast %add3A_141 : f32 to vector<400x128xf32>
    %add3A_143 = arith.addf %mul3A_140, %add3A_142 : vector<400x128xf32>
    %div3A = arith.divf %get3A_135, %add3A_143 : vector<400x128xf32>
    %swap3A = arith.constant 0 : index
    %swap3A_144 = arith.constant 0 : index
    %swap3A_145 = vector.load %arg5[%swap3A, %swap3A_144] : memref<400x128xf32, #tpu.memory_space<vmem>>, vector<400x128xf32>
    tpu.vector_store %arg5[%swap3A, %swap3A_144], %div3A {strides = array<i32>} : memref<400x128xf32, #tpu.memory_space<vmem>>, vector<400x128xf32>,
    return
  }
  func.func @transform_0(%arg0: i32) -> (i32, i32) {
    %c0_i32 = arith.constant 0 : i32
    %c0_i32_0 = arith.constant 0 : i32
    return %arg0, %c0_i32 : i32, i32
  }
  func.func @transform_1(%arg0: i32) -> (i32, i32) {
    %c0_i32 = arith.constant 0 : i32
    %c0_i32_0 = arith.constant 0 : i32
    return %arg0, %c0_i32 : i32, i32
  }
  func.func @transform_2(%arg0: i32) -> (i32, i32, i32) {
    %c0_i32 = arith.constant 0 : i32
    %c0_i32_0 = arith.constant 0 : i32
    %c0_i32_1 = arith.constant 0 : i32
    %c0_i32_2 = arith.constant 0 : i32
    return %c0_i32, %c0_i32_0, %c0_i32_1 : i32, i32, i32
  }
  func.func @transform_3(%arg0: i32) -> (i32, i32, i32) {
    %c0_i32 = arith.constant 0 : i32
    %c0_i32_0 = arith.constant 0 : i32
    %c0_i32_1 = arith.constant 0 : i32
    %c0_i32_2 = arith.constant 0 : i32
    return %c0_i32, %c0_i32_0, %c0_i32_1 : i32, i32, i32
  }
  func.func @transform_4(%arg0: i32) -> (i32, i32) {
    %c0_i32 = arith.constant 0 : i32
    %c0_i32_0 = arith.constant 0 : i32
    return %arg0, %c0_i32 : i32, i32
  }
}

</mosaic_0001>

<sc_bundles>
// kernel: kernel.6.cloned.1.call-start
scs
__scs_entry_jumppad:
0x0: {  	(pc) =	sbr.rel $0x88, $3  }
0x1: {  	(tag) =	ssettag $0x0;
	lr =	simm.s32 $0x1  }
0x2: {  	[smem:$0x3F9C] =	sst lr;
	_ =	strace $0xD0000000  }
0x3: {  	_ = 	snop  }
0x4: {  	_ = 	snop  }
0x5: {  	_ = 	snop  }
0x6: {  	_ = 	snop  }
0x7: {  	_ = 	snop  }
__scs_overlays_trampoline_lowered:
0x8: {  	[smem:$0x3FAB] =	sst s0  }
0x9: {  	[smem:$0x3FAC] =	sst s1  }
0xa: {  	[smem:$0x3FAD] =	sst s2  }
0xb: {  	[smem:$0x3FAE] =	sst s3  }
0xc: {  	[smem:$0x3FAF] =	sst s4  }
0xd: {  	[smem:$0x3FB0] =	sst s5  }
0xe: {  	[smem:$0x3FB1] =	sst s6  }
0xf: {  	[smem:$0x3FB2] =	sst s7  }
0x10: {  	[smem:$0x3FB3] =	sst s8  }
0x11: {  	[smem:$0x3FB4] =	sst s9;
	s0 =	simm.s32 @!p0 $0x0  }
0x12: {  	s1 =	sld [smem:$0x3F9A];
	s0 =	simm.s32 @p0 $0x1  }
0x13: {  	[smem:$0x3FB5] =	sst s0;
	s0 =	simm.s32 @!p1 $0x0  }
0x14: {  	s2 =	sld [smem:$0x3F99];
	s0 =	simm.s32 @p1 $0x1  }
0x15: {  	[smem:$0x3FB6] =	sst s0;
	s0 =	simm.s32 @!p2 $0x0  }
0x16: {  	s3 =	sld [smem:$0x3FDB];
	s0 =	simm.s32 @p2 $0x1  }
0x17: {  	s4 =	simm.s32 $0x1BF5;
	[smem:$0x3FB8] =	sst s0  }
0x18: {  	s0 =	sld [smem:$0x3F9B];
	_ =	swait.ge [sflag:s4], $0x0  }
0x19: {  	s7 =	sld [smem:$0x3F9C]  }
0x1a: {  	s8 =	sadd.s32 $0xFFFFE003, lr  }
0x1b: {  	s9 =	sadd.s32 $0xFFFFFEF7, lr;
	s5 =	simm.s32 $0xFFFFFFFF;
	p2 =	slt.u32 s8, $0xFFFFF086  }
0x1c: {  	p1 =	slt.u32 s9, $0xF7A;
	s5 =	simm.s32 @!p2 $0x0  }
0x1d: {  	s5 =	simm.s32 @p1 $0x1;
	p0 =	seq.s32 s7, s2  }
0x1e: {  	s7 =	smul.u32 @!p0 $0xF7A, s2;
	p2 =	seq.s32 @!p0 s5, $0x0  }
0x1f: {  	s9 =	smul.u32 $0xF7A, s1;
	s8 =	simm.s32 @!p0 $0x1BF5;
	p2 =	por !p2, p0  }
0x20: {  	[sflag:s8] =	ssyncset.s32 @!p0 $0xFFFFF086;
	s6 =	sadd.s32 @!p0 s3, s7;
	s7 =	simm.s32 @!p0 $0x108  }
0x21: {  	s3 =	sadd.s32 s3, s9;
	s6 =	sadd.s32 @!p0 $0x88, s6;
	s7 =	simm.s32 @p2 $0x1082  }
0x22: {  	[simem:s7], [sflag:s8] =	dma.local @!p0 [hbm:s6], $0xF7A  }
0x23: {  	s9 =	sor.u32 $0xD0000000, s2;
	s6 =	simm.s32 $0x108;
	_ =	swait.ge @!p0 [sflag:s8], $0x0  }
0x24: {  	s3 =	sadd.s32 $0x88, s3;
	s6 =	simm.s32 @!p1 $0x1082;
	[sflag:s4] =	ssyncset.s32 $0xFFFFF086  }
0x25: {  	[simem:s6], [sflag:s4] =	dma.local [hbm:s3], $0xF7A  }
0x26: {  	[smem:$0x3F9C] =	sst s1;
	(tag) =	ssettag s2;
	_ =	strace s9  }
0x27: {  	s1 =	sld [smem:$0x3FAC]  }
0x28: {  	s2 =	sld [smem:$0x3FAD]  }
0x29: {  	s4 =	sld [smem:$0x3FAF]  }
0x2a: {  	p0 =	seq.s32 s5, $0x0;
	s5 =	sld [smem:$0x3FB0]  }
0x2b: {  	s6 =	sld [smem:$0x3FB1]  }
0x2c: {  	s7 =	sld [smem:$0x3FB2]  }
0x2d: {  	s3 =	simm.s32 $0x108;
	s8 =	sld [smem:$0x3FB3]  }
0x2e: {  	s3 =	simm.s32 @!p0 $0x1082;
	s9 =	sld [smem:$0x3FB4]  }
0x2f: {  	lr =	sadd.s32 s0, s3;
	s0 =	sld [smem:$0x3FAB]  }
0x30: {  	s3 =	sld [smem:$0x3FAE]  }
0x31: {  	[smem:$0x3FB7] =	sst s10  }
0x32: {  	s10 =	sld [smem:$0x3FB5];
	_ =	sdelay $0x3  }
0x33: {  	p0 =	seq.s32 s10, $0x1;
	s10 =	sld [smem:$0x3FB7];
	_ =	sdelay $0x3  }
0x34: {  	[smem:$0x3FB7] =	sst s10  }
0x35: {  	s10 =	sld [smem:$0x3FB6];
	_ =	sdelay $0x3  }
0x36: {  	p1 =	seq.s32 s10, $0x1;
	s10 =	sld [smem:$0x3FB7];
	_ =	sdelay $0x3  }
0x37: {  	[smem:$0x3FB7] =	sst s10  }
0x38: {  	s10 =	sld [smem:$0x3FB8]  }
0x39: {  	_ = 	snop;
	(pc) =	sbr.ind lr, $3  }
0x3a: {  	_ = 	snop  }
0x3b: {  	_ = 	snop  }
0x3c: {  	p2 =	seq.s32 s10, $0x1;
	s10 =	sld [smem:$0x3FB7]  }
0x3d: {  	_ =	shalt  }
0x3e: {  	_ =	shalt  }
0x3f: {  	_ =	shalt  }
0x40: {  	_ =	shalt  }
0x41: {  	_ =	shalt  }
0x42: {  	_ =	shalt  }
0x43: {  	_ =	shalt  }
0x44: {  	_ =	shalt  }
0x45: {  	_ =	shalt  }
0x46: {  	_ =	shalt  }
0x47: {  	_ =	shalt  }
0x48: {  	_ =	shalt  }
0x49: {  	_ =	shalt  }
0x4a: {  	_ =	shalt  }
0x4b: {  	_ =	shalt  }
0x4c: {  	_ =	shalt  }
0x4d: {  	_ =	shalt  }
0x4e: {  	_ =	shalt  }
0x4f: {  	_ =	shalt  }
0x50: {  	_ =	shalt  }
0x51: {  	_ =	shalt  }
0x52: {  	_ =	shalt  }
0x53: {  	_ =	shalt  }
0x54: {  	_ =	shalt  }
0x55: {  	_ =	shalt  }
0x56: {  	_ =	shalt  }
0x57: {  	_ =	shalt  }
0x58: {  	_ =	shalt  }
0x59: {  	_ =	shalt  }
0x5a: {  	_ =	shalt  }
0x5b: {  	_ =	shalt  }
0x5c: {  	_ =	shalt  }
0x5d: {  	_ =	shalt  }
0x5e: {  	_ =	shalt  }
0x5f: {  	_ =	shalt  }
0x60: {  	_ =	shalt  }
0x61: {  	_ =	shalt  }
0x62: {  	_ =	shalt  }
0x63: {  	_ =	shalt  }
0x64: {  	_ =	shalt  }
0x65: {  	_ =	shalt  }
0x66: {  	_ =	shalt  }
0x67: {  	_ =	shalt  }
0x68: {  	_ =	shalt  }
0x69: {  	_ =	shalt  }
0x6a: {  	_ =	shalt  }
0x6b: {  	_ =	shalt  }
0x6c: {  	_ =	shalt  }
0x6d: {  	_ =	shalt  }
0x6e: {  	_ =	shalt  }
0x6f: {  	_ =	shalt  }
0x70: {  	_ =	shalt  }
0x71: {  	_ =	shalt  }
0x72: {  	_ =	shalt  }
0x73: {  	_ =	shalt  }
0x74: {  	_ =	shalt  }
0x75: {  	_ =	shalt  }
0x76: {  	_ =	shalt  }
0x77: {  	_ =	shalt  }
0x78: {  	_ =	shalt  }
0x79: {  	_ =	shalt  }
0x7a: {  	_ =	shalt  }
0x7b: {  	_ =	shalt  }
0x7c: {  	_ =	shalt  }
0x7d: {  	_ =	shalt  }
0x7e: {  	_ =	shalt  }
0x7f: {  	_ =	shalt  }
0x80: {  	_ =	shalt  }
0x81: {  	_ =	shalt  }
0x82: {  	_ =	shalt  }
0x83: {  	_ =	shalt  }
0x84: {  	_ =	shalt  }
0x85: {  	_ =	shalt  }
0x86: {  	_ =	shalt  }
0x87: {  	_ =	shalt  }
.Lfunc_end0:
.L_simem_size_0:
called_computation_lowered:
.L_overlay_start_0:
0x88: {  	s2 =	sld [smem:$0x3FD9]  }
0x89: {  	s3 =	sld [smem:$0x3FFE];
	_ =	sdelay $0x1  }
0x8a: {  	s1 =	srdreg.scid  }
0x8b: {  	s0 =	sand.u32 $0x1, s1  }
0x8c: {  	s17 =	sshll.u32 s0, $0xA;
	s2 =	sadd.s32 s3, s2  }
0x8d: {  	s2 =	sadd.s32 s2, s17  }
0x8e: {  	[smem:$0x3FC3] =	sst s2  }
0x8f: {  	_ = 	snop  }
0x90: {  	s2 =	sld [smem:$0x3FC5]  }
0x91: {  	s18 =	sld [smem:$0x3FD0];
	(tm) =	ssettm $0x1  }
0x92: {  	s4 =	sld [smem:$0x3FFB];
	_ =	sdelay $0x3  }
0x93: {  	_ =	strace s4  }
0x94: {  	s4 =	sld [smem:$0x3FFC];
	_ =	sdelay $0x3  }
0x95: {  	_ =	strace s4  }
0x96: {  	s4 =	sld [smem:$0x3FFD];
	_ =	sdelay $0x3  }
0x97: {  	_ =	strace s4  }
0x98: {  	_ =	strace $0x8FFFFFFF  }
0x99: {  	s19 =	sld [smem:$0x3FDB];
	_ =	sdelay $0x1  }
0x9a: {  	s5 =	simm.s32 $_scs_section_size  }
0x9b: {  	s6 =	simm.s32 $_size__tile_overlayer_lowered;
	s7 =	simm.s32 $_tile_overlayer_lowered  }
0x9c: {  	s22 =	simm.s32 $0x1BFF;
	s21 =	sshll.u32 s7, $0x1;
	s4 =	sadd.s32 s5, s19  }
0x9d: {  	s8 =	simm.s32 $0x0;
	s20 =	sshll.u32 s6, $0x1;
	s6 =	sadd.s32 s21, s4  }
0x9e: {  	[timem:s8], [sflag:s22] =	dma.local [hbm:s6], s20  }
0x9f: {  	_ =	swait.ge [sflag:s22], s20  }
0xa0: {  	s5 =	ssub.s32 $0x0, s20;
	[sflag:s22] =	ssyncset.done $0x0  }
0xa1: {  	[sflag:s22] =	ssyncadd.s32 s5;
	_ =	sdelay $0x1  }
0xa2: {  	s23 =	simm.s32 $0x1B8B  }
0xa3: {  	_ =	swait.ge [sflag:s23], $0x1  }
0xa4: {  	[sflag:s23] =	ssyncset.done $0x0  }
0xa5: {  	s25 =	simm.s32 $0x1B8E;
	s24 =	sld [smem:$0x3FFE];
	[sflag:s23] =	ssyncadd.s32 $0xFFFFFFFF  }
0xa6: {  	s26 =	simm.s32 $execute0_lowered;
	[smem:$0x3FD2] =	sst s25  }
0xa7: {  	s6 =	sshll.u32 s26, $0x1;
	_ =	strace $0x80000046;
	[dreg:$0x1] =	wrdreg $0xFFFFFFFF  }
0xa8: {  	s28 =	simm.s32 $_size_execute0_lowered;
	s4 =	sadd.s32 s4, s6;
	[dreg:$0x0] =	wrdreg $0x0  }
0xa9: {  	s6 =	sshll.u32 s28, $0x1;
	[dreg:$0x2] =	wrdreg s4  }
0xaa: {  	[dreg:$0x3] =	wrdreg s6  }
0xab: {  	[dreg:$0x4] =	wrdreg $0xC0  }
0xac: {  	_ =	task [dreg:s8], $0x5FFFF  }
0xad: {  	[dreg:$0x1] =	wrdreg $0xFFFFFFFF  }
0xae: {  	[dreg:$0x0] =	wrdreg $0x60  }
0xaf: {  	[dreg:$0x2] =	wrdreg s18  }
0xb0: {  	[dreg:$0x3] =	wrdreg s2  }
0xb1: {  	[dreg:$0x4] =	wrdreg s24  }
0xb2: {  	[dreg:$0x5] =	wrdreg $0x9  }
0xb3: {  	_ =	task.clear_ibuf [dreg:s8], $0x6FFFF;
	_ =	strace $0x90000046  }
0xb4: {  	s29 =	simm.s32 $0x9;
	_ =	strace $0x80000048  }
0xb5: {  	_ =	swait.ge [sflag:s29], $0x1  }
0xb6: {  	[sflag:s29] =	ssyncadd.s32 $0xFFFFFFFF  }
0xb7: {  	_ =	strace $0x90000048  }
0xb8: {  	_ =	sfence  }
0xb9: {  	s30 =	sld [smem:$0x0];
	_ =	sdelay $0x2  }
0xba: {  	s31 =	sshll.u32 s1, $0xD;
	s1 =	sshrl.u32 s1, $0x2  }
0xbb: {  	s3 =	sand.u32 $0x4000, s31;
	s1 =	sadd.s32 s1, s30  }
0xbc: {  	s0 =	sor.u32 s3, s0;
	s1 =	sshll.u32 s1, $0x11  }
0xbd: {  	s0 =	sor.u32 s1, s0  }
0xbe: {  	s0 =	sadd.s32 $0x8F2B, s0  }
0xbf: {  	[sflag:s0] =	ssyncadd.remote.s32 $0x1  }
0xc0: {  	_ =	sfence.sel $0xFFFF  }
0xc1: {  	[dreg:$0x0] =	wrdreg $0xFFFFFFFF;
	(pc) =	sbr.abs _section_cstart, $3  }
0xc2: {  	[dreg:$0x1] =	wrdreg $0xFFFFFFFF  }
0xc3: {  	_ =	task.clear_ibuf [dreg:s8], $0x2FFFF;
	_ =	strace $0x9FFFFFFF  }
0xc4: {  	(tm) =	ssettm $0x7FFFFFFF  }
0xc5: {  	_ =	shalt  }
tec
execute0_lowered:
.L_overlay_start_1:
0x0: {  	(tag) =	ssettag $0x1  }
0x1: {  	s8 =	rddreg [dreg:$0x0]  }
0x2: {  	s2 =	rddreg [dreg:$0x1]  }
0x3: {  	s9 =	rddreg [dreg:$0x2]  }
0x4: {  	s0 =	rddreg [dreg:$0x3];
	s4 =	srdreg.scid  }
0x5: {  	s1 =	stileid.u32;
	s3 =	simm.s32 $0x0;
	s15 =	simm.s32 $0x680  }
0x6: {  	s16 =	simm.s32 $0x880;
	s17 =	simm.s32 $0xA80;
	s18 =	simm.s32 $0xCE80  }
0x7: {  	s19 =	simm.s32 $0x0;
	s7 =	sand.u32 $0x1, s4;
	s31 =	sshll.u32 s1, $0x1  }
0x8: {  	[smem:$0x7FF] =	sst s3;
	s4 =	sadd.s32 $0x31C00, s9;
	s5 =	sadd.s32 $0x62A00, s9  }
0x9: {  	s6 =	sadd.s32 $0x93800, s9;
	s10 =	sor.u32 s7, s31;
	s12 =	ssub.s32 $0x2, s7  }
0xa: {  	_ =	strace $0x80000047;
	s11 =	smul.u32 $0xC40, s10;
	s14 =	sshrl.u32 s12, $0x1  }
0xb: {  	v1 =	vlaneseq.u32;
	v2 =	vimm.f32 $0.0e+00;
	s7 =	sadd.s32 $0xE00, s9;
	s10 =	sshll.u32 s10, $0x4;
	s12 =	ssub.s32 s12, s14  }
0xc: {  	vm0 =	vmmov $0x1;
	vm1 =	vcmask $0x308;
	v3 =	vmul.u32 $0xC40, v1;
	s8 =	sadd.s32 s8, s10;
	s14 =	simm.s32 $0x480;
	s13 =	sshrl.u32 s11, $0x3  }
0xd: {  	vm2 =	vcmask $0xB10;
	vm3 =	vcmask $0x70C;
	v0 =	vmov s11;
	s10 =	smax.u32 s12, $0x1;
	s11 =	simm.s32 $0x1;
	s9 =	sadd.s32 s13, s9  }
0xe: {  	v4 =	vor.u32 $0x1, v3;
	v5 =	vor.u32 $0x2, v3;
	v6 =	vor.u32 $0x3, v3;
	s12 =	simm.s32 $0x80;
	s13 =	simm.s32 $0x280;
	s9 =	sadd.s32 $0xC4600, s9  }
.LBB2_1:
0xf: {  	[tilespmem:s3], [sflag:$0x1] =	stream.linear.gather [hbm4b:s8+s3], $0x80, $0x38;
	[tilespmem:$0xDB00] =	vst v63  }
0x10: {  	_ =	swait.ge [sflag:s11], $0x80  }
0x11: {  	[sflag:s11] =	ssyncset.done $0x0  }
0x12: {  	[sflag:s11] =	ssyncadd.s32 $0xFFFFFF80  }
0x13: {  	s20 =	simm.s32 $0x40;
	s22 =	simm.s32 $0x0;
	v7 =	vld [tilespmem:$0x0]  }
.LBB2_2:
0x14: {  	p0 =	sne.s32 s20, $0x30FC0;
	[tilespmem:s22+$0xA80] =	vst v2;
	s21 =	smov.u32 s20;
	s20 =	sadd.s32 $0x40, s20  }
.Ltmp0:
0x15: {  	(pc) =	sbr.rel @p0 .LBB2_2-.Ltmp0, $2  }
0x16: {  	_ =	sdelay $0x2  }
0x17: {  	s22 =	sshra.s32 s21, $0x2  }
0x18: {  	v8 =	vnsel vm0, $0x0, v7  }
0x19: {  	(xrf0) =	vadd.scan.msk.s32 $0xffff, v8;
	v8 =	vsel vm1, $0x0, v7  }
0x1a: {  	(xrf0) =	vadd.scan.msk.s32 $0xffff, v8;
	_ =	sdelay $0x4  }
0x1b: {  	v8, _, _ =	vpop (xrf0)  }
0x1c: {  	(v2sf) =	vpush v8, $0xF;
	v8, _, _ =	vpop (xrf0)  }
0x1d: {  	(v2sf) =	vpush v8, $0xF;
	_ =	sdelay $0xd  }
0x1e: {  	s20 =	spop (v2sf)  }
0x1f: {  	s21 =	spop (v2sf)  }
0x20: {  	p0 =	slt.s32 s21, $0x1  }
.Ltmp1:
0x21: {  	_ = 	snop;
	(pc) =	sbr.rel @p0 .LBB2_8-.Ltmp1, $2  }
0x22: {  	_ =	sdelay $0x2  }
0x23: {  	[tilespmem:s22+$0xA80] =	vst v2  }
0x24: {  	v8 =	vsel vm2, $0x0, v7  }
0x25: {  	v7 =	vsel vm3, $0x0, v7;
	(xrf0) =	vadd.scan.msk.s32 $0xffff, v8  }
0x26: {  	(xrf0) =	vadd.scan.msk.s32 $0xffff, v7;
	_ =	sdelay $0x4  }
0x27: {  	v8, _, _ =	vpop (xrf0)  }
0x28: {  	v7, _, _ =	vpop (xrf0)  }
0x29: {  	s22 =	simm.s32 $0x0;
	s23 =	smov.u32 s20;
	s24 =	simm.s32 $0x0;
	v8 =	vbroadcast v8, $0xF;
	v7 =	vbroadcast v7, $0xF  }
.LBB2_5:
0x2a: {  	s25 =	sshll.u32 s24, $0x9  }
0x2b: {  	s25 =	sadd.s32 s20, s25  }
0x2c: {  	p0 =	sgt.s32 s25, $0x0  }
0x2d: {  	s25 =	simm.s32 @!p0 $0x0  }
0x2e: {  	s25 =	smin.u32 s25, $0x186800  }
0x2f: {  	s25 =	sshrl.u32 s25, $0x3  }
0x30: {  	s26 =	sadd.s32 s2, s25  }
0x31: {  	[tilespmem:s12], [sflag:$0x1] =	stream.linear.gather [hbm4b:s26+s22], $0x200, $0x38;
	[tilespmem:$0xDB00] =	vst v63  }
0x32: {  	_ =	swait.ge [sflag:s11], $0x200  }
0x33: {  	[sflag:s11] =	ssyncset.done $0x0  }
0x34: {  	s31 =	sadd.s32 s4, s25;
	[sflag:s11] =	ssyncadd.s32 $0xFFFFFE00  }
0x35: {  	[tilespmem:s13], [sflag:$0x1] =	stream.linear.gather [hbm4b:s31+s22], $0x200, $0x38;
	[tilespmem:$0xDB00] =	vst v63  }
0x36: {  	_ =	swait.ge [sflag:s11], $0x200  }
0x37: {  	[sflag:s11] =	ssyncset.done $0x0  }
0x38: {  	s28 =	sadd.s32 s5, s25;
	[sflag:s11] =	ssyncadd.s32 $0xFFFFFE00  }
0x39: {  	[tilespmem:s14], [sflag:$0x1] =	stream.linear.gather [hbm4b:s28+s22], $0x200, $0x38;
	[tilespmem:$0xDB00] =	vst v63  }
0x3a: {  	_ =	swait.ge [sflag:s11], $0x200  }
0x3b: {  	[sflag:s11] =	ssyncset.done $0x0  }
0x3c: {  	s29 =	sadd.s32 s6, s25;
	[sflag:s11] =	ssyncadd.s32 $0xFFFFFE00  }
0x3d: {  	[tilespmem:s15], [sflag:$0x1] =	stream.linear.gather [hbm4b:s29+s22], $0x200, $0x38;
	[tilespmem:$0xDB00] =	vst v63  }
0x3e: {  	_ =	swait.ge [sflag:s11], $0x200  }
0x3f: {  	[sflag:s11] =	ssyncset.done $0x0  }
0x40: {  	s25 =	sadd.s32 s7, s25;
	[sflag:s11] =	ssyncadd.s32 $0xFFFFFE00  }
0x41: {  	[tilespmem:s16], [sflag:$0x1] =	stream.linear.gather [hbm4b:s25+s22], $0x200, $0x38;
	[tilespmem:$0xDB00] =	vst v63  }
0x42: {  	_ =	swait.ge [sflag:s11], $0x200  }
0x43: {  	[sflag:s11] =	ssyncset.done $0x0  }
0x44: {  	s31 =	simm.s32 $0x0;
	[sflag:s11] =	ssyncadd.s32 $0xFFFFFE00  }
0x45: {  	v9 =	vld [tilespmem:s31+$0x80]  }
0x46: {  	p0 =	sgt.s32 s23, $0x0;
	s25 =	smov.u32 s23  }
0x47: {  	s25 =	simm.s32 @!p0 $0x0  }
0x48: {  	s25 =	smin.u32 s25, $0x186800  }
0x49: {  	v10 =	vadd.s32 s25, v1  }
0x4a: {  	vm4 =	vge.s32 v10, v7;
	vm5 =	vlt.s32 v10, v8;
	v9 =	vshll.u32 v9, $0x2  }
0x4b: {  	vm4 =	vmand vm4, vm5;
	v9 =	vsub.s32 v9, v0  }
0x4c: {  	v10 =	vadd.s32 v3, v9;
	_ =	sdelay $0x3  }
0x4d: {  	v12 =	vld [tilespmem:s31+$0x280]  }
0x4e: {  	v11 =	vld.idx.msk [tilespmem:v10+s17+$0x0], vm4;
	_ =	sdelay $0x1  }
0x4f: {  	v13 =	vadd.s32 v4, v9;
	_ =	sdelay $0x2  }
0x50: {  	v11 =	vmax.f32 v11, v12  }
0x51: {  	[tilespmem:v10+s17+$0x0] =	vst.idx.msk vm4, v11  }
0x52: {  	v10 =	vld.idx.msk [tilespmem:v13+s17+$0x0], vm4  }
0x53: {  	v11 =	vld [tilespmem:s31+$0x480];
	_ =	sdelay $0x1  }
0x54: {  	v63 =	vadd.s32 v5, v9;
	_ =	sdelay $0x2  }
0x55: {  	v10 =	vmax.f32 v10, v11  }
0x56: {  	[tilespmem:v13+s17+$0x0] =	vst.idx.msk vm4, v10  }
0x57: {  	v10 =	vld.idx.msk [tilespmem:v63+s17+$0x0], vm4  }
0x58: {  	v11 =	vld [tilespmem:s31+$0x680];
	_ =	sdelay $0x1  }
0x59: {  	v9 =	vadd.s32 v6, v9;
	_ =	sdelay $0x2  }
0x5a: {  	v10 =	vmax.f32 v10, v11  }
0x5b: {  	[tilespmem:v63+s17+$0x0] =	vst.idx.msk vm4, v10  }
0x5c: {  	v10 =	vld.idx.msk [tilespmem:v9+s17+$0x0], vm4  }
0x5d: {  	v11 =	vld [tilespmem:s31+$0x880];
	_ =	sdelay $0x4  }
0x5e: {  	s30 =	simm.s32 $0x80;
	s26 =	simm.s32 $0x40;
	v10 =	vmax.f32 v10, v11  }
.LBB2_6:
0x5f: {  	s29 =	sshra.s32 s26, $0x2  }
0x60: {  	[tilespmem:v9+s17+$0x0] =	vst.idx.msk vm4, v10;
	s25 =	sadd.s32 $0x10, s25;
	s26 =	smov.u32 s30;
	s28 =	sadd.s32 $0x40, s30  }
0x61: {  	p0 =	sne.s32 s30, $0x7C0;
	v9 =	vld [tilespmem:s29+$0x80];
	_ =	sdelay $0x3  }
0x62: {  	v10 =	vadd.s32 s25, v1  }
0x63: {  	vm4 =	vge.s32 v10, v7;
	vm5 =	vlt.s32 v10, v8;
	v9 =	vshll.u32 v9, $0x2  }
0x64: {  	vm4 =	vmand vm4, vm5;
	v9 =	vsub.s32 v9, v0  }
0x65: {  	v10 =	vadd.s32 v3, v9;
	_ =	sdelay $0x4  }
0x66: {  	v11 =	vld.idx.msk [tilespmem:v10+s17+$0x0], vm4  }
0x67: {  	v12 =	vld [tilespmem:s29+$0x280];
	_ =	sdelay $0x1  }
0x68: {  	v13 =	vadd.s32 v4, v9;
	_ =	sdelay $0x2  }
0x69: {  	v11 =	vmax.f32 v11, v12  }
0x6a: {  	[tilespmem:v10+s17+$0x0] =	vst.idx.msk vm4, v11  }
0x6b: {  	v10 =	vld.idx.msk [tilespmem:v13+s17+$0x0], vm4  }
0x6c: {  	v11 =	vld [tilespmem:s29+$0x480];
	_ =	sdelay $0x1  }
0x6d: {  	v12 =	vadd.s32 v5, v9;
	_ =	sdelay $0x2  }
0x6e: {  	v10 =	vmax.f32 v10, v11  }
0x6f: {  	[tilespmem:v13+s17+$0x0] =	vst.idx.msk vm4, v10  }
0x70: {  	v10 =	vld.idx.msk [tilespmem:v12+s17+$0x0], vm4  }
0x71: {  	v11 =	vld [tilespmem:s29+$0x680];
	_ =	sdelay $0x1  }
0x72: {  	v9 =	vadd.s32 v6, v9;
	_ =	sdelay $0x2  }
0x73: {  	v10 =	vmax.f32 v10, v11  }
0x74: {  	[tilespmem:v12+s17+$0x0] =	vst.idx.msk vm4, v10  }
0x75: {  	v10 =	vld.idx.msk [tilespmem:v9+s17+$0x0], vm4  }
0x76: {  	v11 =	vld [tilespmem:s29+$0x880]  }
.Ltmp2:
0x77: {  	(pc) =	sbr.rel @p0 .LBB2_6-.Ltmp2, $2  }
0x78: {  	_ =	sdelay $0x2  }
0x79: {  	s30 =	smov.u32 s28;
	v10 =	vmax.f32 v10, v11  }
0x7a: {  	_ =	sdelay $0x4  }
0x7b: {  	s26 =	sshra.s32 s26, $0x2;
	[tilespmem:v9+s17+$0x0] =	vst.idx.msk vm4, v10  }
0x7c: {  	v9 =	vld [tilespmem:s26+$0x80];
	_ =	sdelay $0x2  }
0x7d: {  	s25 =	sadd.s32 $0x10, s25  }
0x7e: {  	v10 =	vadd.s32 s25, v1  }
0x7f: {  	vm4 =	vge.s32 v10, v7;
	vm5 =	vlt.s32 v10, v8;
	v9 =	vshll.u32 v9, $0x2  }
0x80: {  	vm4 =	vmand vm4, vm5;
	v9 =	vsub.s32 v9, v0  }
0x81: {  	v10 =	vadd.s32 v3, v9;
	_ =	sdelay $0x3  }
0x82: {  	v12 =	vld [tilespmem:s26+$0x280]  }
0x83: {  	v11 =	vld.idx.msk [tilespmem:v10+s17+$0x0], vm4;
	_ =	sdelay $0x1  }
0x84: {  	v13 =	vadd.s32 v4, v9;
	_ =	sdelay $0x2  }
0x85: {  	v11 =	vmax.f32 v11, v12  }
0x86: {  	[tilespmem:v10+s17+$0x0] =	vst.idx.msk vm4, v11  }
0x87: {  	v10 =	vld.idx.msk [tilespmem:v13+s17+$0x0], vm4  }
0x88: {  	v11 =	vld [tilespmem:s26+$0x480];
	_ =	sdelay $0x1  }
0x89: {  	v63 =	vadd.s32 v5, v9;
	_ =	sdelay $0x2  }
0x8a: {  	v10 =	vmax.f32 v10, v11  }
0x8b: {  	[tilespmem:v13+s17+$0x0] =	vst.idx.msk vm4, v10  }
0x8c: {  	v10 =	vld.idx.msk [tilespmem:v63+s17+$0x0], vm4  }
0x8d: {  	v11 =	vld [tilespmem:s26+$0x680];
	_ =	sdelay $0x1  }
0x8e: {  	v9 =	vadd.s32 v6, v9;
	_ =	sdelay $0x2  }
0x8f: {  	v10 =	vmax.f32 v10, v11  }
0x90: {  	[tilespmem:v63+s17+$0x0] =	vst.idx.msk vm4, v10  }
0x91: {  	v10 =	vld.idx.msk [tilespmem:v9+s17+$0x0], vm4  }
0x92: {  	s24 =	sadd.s32 $0x1, s24;
	v11 =	vld [tilespmem:s26+$0x880]  }
0x93: {  	p0 =	sne.s32 s24, s21  }
.Ltmp3:
0x94: {  	_ = 	snop;
	(pc) =	sbr.rel @p0 .LBB2_5-.Ltmp3, $3  }
0x95: {  	_ =	sdelay $0x1  }
0x96: {  	v10 =	vmax.f32 v10, v11  }
0x97: {  	s23 =	sadd.s32 $0x200, s23;
	[tilespmem:v9+s17+$0x0] =	vst.idx.msk vm4, v10  }
.LBB2_8:
0x98: {  	s20 =	simm.s32 $0x0  }
0x99: {  	s21 =	simm.s32 $0x0;
	v7 =	vld [tilespmem:s20+$0xA80]  }
0x9a: {  	v8 =	vld [tilespmem:s20+$0x16C0];
	s21 =	sand.u32 $0xFF0, s21  }
0x9b: {  	v9 =	vld [tilespmem:s21+$0x2300]  }
0x9c: {  	v10 =	vld [tilespmem:s20+$0x2F40]  }
0x9d: {  	v11 =	vld [tilespmem:s21+$0x3B80]  }
0x9e: {  	v12 =	vld [tilespmem:s20+$0x47C0]  }
0x9f: {  	v7 =	vmax.f32 v7, v8;
	v8 =	vld [tilespmem:s21+$0x5400]  }
0xa0: {  	v7 =	vmax.f32 v7, v9;
	v9 =	vld [tilespmem:s20+$0x6040]  }
0xa1: {  	v7 =	vmax.f32 v7, v10;
	v10 =	vld [tilespmem:s21+$0x6C80]  }
0xa2: {  	v7 =	vmax.f32 v7, v11;
	v11 =	vld [tilespmem:s20+$0x78C0]  }
0xa3: {  	v62 =	vld [tilespmem:s21+$0x8500];
	v7 =	vmax.f32 v7, v12  }
0xa4: {  	v7 =	vmax.f32 v7, v8;
	v8 =	vld [tilespmem:s20+$0x9140]  }
0xa5: {  	v7 =	vmax.f32 v7, v9;
	v9 =	vld [tilespmem:s21+$0x9D80]  }
0xa6: {  	v7 =	vmax.f32 v7, v10;
	v10 =	vld [tilespmem:s20+$0xA9C0]  }
0xa7: {  	v7 =	vmax.f32 v7, v11;
	v11 =	vld [tilespmem:s21+$0xB600]  }
0xa8: {  	v63 =	vld [tilespmem:s20+$0xC240];
	v7 =	vmax.f32 v7, v62  }
0xa9: {  	v7 =	vmax.f32 v7, v8  }
0xaa: {  	v7 =	vmax.f32 v7, v9  }
0xab: {  	v7 =	vmax.f32 v7, v10  }
0xac: {  	s23 =	simm.s32 $0x10;
	v8 =	vmax.f32 v7, v11  }
0xad: {  	s22 =	simm.s32 $0x80;
	s21 =	simm.s32 $0x10;
	v7 =	vld [tilespmem:s23+$0xA80];
	v8 =	vmax.f32 v8, v63  }
.LBB2_9:
0xae: {  	p0 =	sne.s32 s22, $0x30C0;
	v9 =	vld [tilespmem:s23+$0x16C0];
	s24 =	sand.u32 $0xFF0, s21;
	[tilespmem:s20+$0xCE80] =	vst v8;
	s20 =	smov.u32 s23  }
0xaf: {  	v8 =	vld [tilespmem:s24+$0x2300]  }
0xb0: {  	v10 =	vld [tilespmem:s20+$0x2F40]  }
0xb1: {  	v11 =	vld [tilespmem:s24+$0x3B80]  }
0xb2: {  	v12 =	vld [tilespmem:s20+$0x47C0]  }
0xb3: {  	v7 =	vmax.f32 v7, v9;
	v9 =	vld [tilespmem:s24+$0x5400]  }
0xb4: {  	v7 =	vmax.f32 v7, v8;
	v8 =	vld [tilespmem:s20+$0x6040]  }
0xb5: {  	v7 =	vmax.f32 v7, v10;
	v10 =	vld [tilespmem:s24+$0x6C80]  }
0xb6: {  	v7 =	vmax.f32 v7, v11;
	v11 =	vld [tilespmem:s20+$0x78C0]  }
0xb7: {  	v7 =	vmax.f32 v7, v12;
	v12 =	vld [tilespmem:s24+$0x8500]  }
0xb8: {  	v7 =	vmax.f32 v7, v9;
	v9 =	vld [tilespmem:s20+$0x9140]  }
0xb9: {  	v7 =	vmax.f32 v7, v8;
	v8 =	vld [tilespmem:s24+$0x9D80]  }
0xba: {  	v7 =	vmax.f32 v7, v10;
	v10 =	vld [tilespmem:s20+$0xA9C0]  }
0xbb: {  	v7 =	vmax.f32 v7, v11;
	v11 =	vld [tilespmem:s24+$0xB600]  }
0xbc: {  	v7 =	vmax.f32 v7, v12;
	v12 =	vld [tilespmem:s20+$0xC240]  }
.Ltmp4:
0xbd: {  	v7 =	vmax.f32 v7, v9;
	(pc) =	sbr.rel @p0 .LBB2_9-.Ltmp4, $4  }
0xbe: {  	v7 =	vmax.f32 v7, v8  }
0xbf: {  	v7 =	vmax.f32 v7, v10  }
0xc0: {  	s23 =	sshra.s32 s22, $0x2;
	v8 =	vmax.f32 v7, v11  }
0xc1: {  	s22 =	sadd.s32 $0x40, s22;
	s21 =	sadd.s32 $0x10, s21;
	v7 =	vld [tilespmem:s23+$0xA80];
	v8 =	vmax.f32 v8, v12  }
0xc2: {  	v9 =	vld [tilespmem:s23+$0x16C0];
	s21 =	sand.u32 $0xFF0, s21;
	[tilespmem:s20+$0xCE80] =	vst v8  }
0xc3: {  	v8 =	vld [tilespmem:s21+$0x2300]  }
0xc4: {  	v10 =	vld [tilespmem:s23+$0x2F40]  }
0xc5: {  	v11 =	vld [tilespmem:s21+$0x3B80]  }
0xc6: {  	v12 =	vld [tilespmem:s23+$0x47C0]  }
0xc7: {  	v56 =	vld [tilespmem:s21+$0x5400];
	v7 =	vmax.f32 v7, v9  }
0xc8: {  	v7 =	vmax.f32 v7, v8;
	v8 =	vld [tilespmem:s23+$0x6040]  }
0xc9: {  	v57 =	vld [tilespmem:s21+$0x6C80];
	v7 =	vmax.f32 v7, v10  }
0xca: {  	v58 =	vld [tilespmem:s23+$0x78C0];
	v7 =	vmax.f32 v7, v11  }
0xcb: {  	v59 =	vld [tilespmem:s21+$0x8500];
	v7 =	vmax.f32 v7, v12  }
0xcc: {  	v60 =	vld [tilespmem:s23+$0x9140];
	v7 =	vmax.f32 v7, v56  }
0xcd: {  	v7 =	vmax.f32 v7, v8;
	v8 =	vld [tilespmem:s21+$0x9D80]  }
0xce: {  	v61 =	vld [tilespmem:s23+$0xA9C0];
	v7 =	vmax.f32 v7, v57  }
0xcf: {  	v62 =	vld [tilespmem:s21+$0xB600];
	v7 =	vmax.f32 v7, v58  }
0xd0: {  	v63 =	vld [tilespmem:s23+$0xC240];
	v7 =	vmax.f32 v7, v59  }
0xd1: {  	v7 =	vmax.f32 v7, v60  }
0xd2: {  	v7 =	vmax.f32 v7, v8  }
0xd3: {  	v7 =	vmax.f32 v7, v61  }
0xd4: {  	s19 =	sadd.s32 $0x1, s19;
	v7 =	vmax.f32 v7, v62  }
0xd5: {  	p0 =	sne.s32 s19, s10;
	v7 =	vmax.f32 v7, v63  }
.Ltmp5:
0xd6: {  	[tilespmem:s23+$0xCE80] =	vst v7;
	(pc) =	sbr.rel @p0 .LBB2_1-.Ltmp5, $4  }
0xd7: {  	[hbm4b:s9+s3] =	stream.linear.scatter [tilespmem:s18], [sflag:$0x1], $0xC40, $0x38;
	[tilespmem:$0xDB00] =	vst v63  }
0xd8: {  	_ =	swait.ge [sflag:s11], $0xC40  }
0xd9: {  	[sflag:s11] =	ssyncset.done $0x0  }
0xda: {  	[sflag:s11] =	ssyncadd.s32 $0xFFFFF3C0  }
0xdb: {  	_ =	sfence.sel $0x180000  }
0xdc: {  	[bflag:$0x0] =	sbarrier.arrive $0xFFFF  }
0xdd: {  	p0 =	sne.s32 s1, $0x0;
	_ =	strace $0x90000047  }
0xde: {  	s0 =	sadd.s32 @!p0 $0x100000, s0;
	[bflag:$0x2] =	sbarrier.arrive $0xFFFF  }
0xdf: {  	[sflag:s0] =	ssyncadd.tile.s32 @!p0 $0x1;
	_ =	shalt  }
.Lfunc_end2:
_tile_overlayer_lowered:
.L_overlay_start_2:
0xe0: {  	(tag) =	ssettag $0x2  }
0xe1: {  	s0 =	rddreg [dreg:$0x0];
	s2 =	stileid.u32  }
0xe2: {  	s1 =	rddreg [dreg:$0x1];
	p0 =	sne.s32 s2, $0x0  }
0xe3: {  	s3 =	rddreg [dreg:$0x2];
	[bflag:$0x3] =	sbarrier.arrive $0xFFFF;
	s2 =	simm.s32 @!p0 $0x1C01  }
0xe4: {  	[timem:s3], [sflag:s2] =	dma.local @!p0 [hbm:s0], s1  }
0xe5: {  	s0 =	simm.s32 @!p0 $0x1  }
0xe6: {  	_ =	swait.ge @!p0 [sflag:s0], s1  }
0xe7: {  	s1 =	ssub.s32 @!p0 $0x0, s1;
	[sflag:s0] =	ssyncset.done @!p0 $0x0  }
0xe8: {  	[sflag:s0] =	ssyncadd.s32 @!p0 s1  }
0xe9: {  	[bflag:$0x3] =	sbarrier.arrive $0xFFFF  }
0xea: {  	_ =	shalt  }

// kernel: kernel.9.cloned.1.call-start
scs
__scs_entry_jumppad:
0x0: {  	(pc) =	sbr.rel $0x88, $3  }
0x1: {  	(tag) =	ssettag $0x0;
	lr =	simm.s32 $0x1  }
0x2: {  	[smem:$0x3F9C] =	sst lr;
	_ =	strace $0xD0000000  }
0x3: {  	_ = 	snop  }
0x4: {  	_ = 	snop  }
0x5: {  	_ = 	snop  }
0x6: {  	_ = 	snop  }
0x7: {  	_ = 	snop  }
__scs_overlays_trampoline_lowered:
0x8: {  	[smem:$0x3FAB] =	sst s0  }
0x9: {  	[smem:$0x3FAC] =	sst s1  }
0xa: {  	[smem:$0x3FAD] =	sst s2  }
0xb: {  	[smem:$0x3FAE] =	sst s3  }
0xc: {  	[smem:$0x3FAF] =	sst s4  }
0xd: {  	[smem:$0x3FB0] =	sst s5  }
0xe: {  	[smem:$0x3FB1] =	sst s6  }
0xf: {  	[smem:$0x3FB2] =	sst s7  }
0x10: {  	[smem:$0x3FB3] =	sst s8  }
0x11: {  	[smem:$0x3FB4] =	sst s9;
	s0 =	simm.s32 @!p0 $0x0  }
0x12: {  	s1 =	sld [smem:$0x3F9A];
	s0 =	simm.s32 @p0 $0x1  }
0x13: {  	[smem:$0x3FB5] =	sst s0;
	s0 =	simm.s32 @!p1 $0x0  }
0x14: {  	s2 =	sld [smem:$0x3F99];
	s0 =	simm.s32 @p1 $0x1  }
0x15: {  	[smem:$0x3FB6] =	sst s0;
	s0 =	simm.s32 @!p2 $0x0  }
0x16: {  	s3 =	sld [smem:$0x3FDB];
	s0 =	simm.s32 @p2 $0x1  }
0x17: {  	s4 =	simm.s32 $0x1BF5;
	[smem:$0x3FB8] =	sst s0  }
0x18: {  	s0 =	sld [smem:$0x3F9B];
	_ =	swait.ge [sflag:s4], $0x0  }
0x19: {  	s7 =	sld [smem:$0x3F9C]  }
0x1a: {  	s8 =	sadd.s32 $0xFFFFE003, lr  }
0x1b: {  	s9 =	sadd.s32 $0xFFFFFEF7, lr;
	s5 =	simm.s32 $0xFFFFFFFF;
	p2 =	slt.u32 s8, $0xFFFFF086  }
0x1c: {  	p1 =	slt.u32 s9, $0xF7A;
	s5 =	simm.s32 @!p2 $0x0  }
0x1d: {  	s5 =	simm.s32 @p1 $0x1;
	p0 =	seq.s32 s7, s2  }
0x1e: {  	s7 =	smul.u32 @!p0 $0xF7A, s2;
	p2 =	seq.s32 @!p0 s5, $0x0  }
0x1f: {  	s9 =	smul.u32 $0xF7A, s1;
	s8 =	simm.s32 @!p0 $0x1BF5;
	p2 =	por !p2, p0  }
0x20: {  	[sflag:s8] =	ssyncset.s32 @!p0 $0xFFFFF086;
	s6 =	sadd.s32 @!p0 s3, s7;
	s7 =	simm.s32 @!p0 $0x108  }
0x21: {  	s3 =	sadd.s32 s3, s9;
	s6 =	sadd.s32 @!p0 $0x88, s6;
	s7 =	simm.s32 @p2 $0x1082  }
0x22: {  	[simem:s7], [sflag:s8] =	dma.local @!p0 [hbm:s6], $0xF7A  }
0x23: {  	s9 =	sor.u32 $0xD0000000, s2;
	s6 =	simm.s32 $0x108;
	_ =	swait.ge @!p0 [sflag:s8], $0x0  }
0x24: {  	s3 =	sadd.s32 $0x88, s3;
	s6 =	simm.s32 @!p1 $0x1082;
	[sflag:s4] =	ssyncset.s32 $0xFFFFF086  }
0x25: {  	[simem:s6], [sflag:s4] =	dma.local [hbm:s3], $0xF7A  }
0x26: {  	[smem:$0x3F9C] =	sst s1;
	(tag) =	ssettag s2;
	_ =	strace s9  }
0x27: {  	s1 =	sld [smem:$0x3FAC]  }
0x28: {  	s2 =	sld [smem:$0x3FAD]  }
0x29: {  	s4 =	sld [smem:$0x3FAF]  }
0x2a: {  	p0 =	seq.s32 s5, $0x0;
	s5 =	sld [smem:$0x3FB0]  }
0x2b: {  	s6 =	sld [smem:$0x3FB1]  }
0x2c: {  	s7 =	sld [smem:$0x3FB2]  }
0x2d: {  	s3 =	simm.s32 $0x108;
	s8 =	sld [smem:$0x3FB3]  }
0x2e: {  	s3 =	simm.s32 @!p0 $0x1082;
	s9 =	sld [smem:$0x3FB4]  }
0x2f: {  	lr =	sadd.s32 s0, s3;
	s0 =	sld [smem:$0x3FAB]  }
0x30: {  	s3 =	sld [smem:$0x3FAE]  }
0x31: {  	[smem:$0x3FB7] =	sst s10  }
0x32: {  	s10 =	sld [smem:$0x3FB5];
	_ =	sdelay $0x3  }
0x33: {  	p0 =	seq.s32 s10, $0x1;
	s10 =	sld [smem:$0x3FB7];
	_ =	sdelay $0x3  }
0x34: {  	[smem:$0x3FB7] =	sst s10  }
0x35: {  	s10 =	sld [smem:$0x3FB6];
	_ =	sdelay $0x3  }
0x36: {  	p1 =	seq.s32 s10, $0x1;
	s10 =	sld [smem:$0x3FB7];
	_ =	sdelay $0x3  }
0x37: {  	[smem:$0x3FB7] =	sst s10  }
0x38: {  	s10 =	sld [smem:$0x3FB8]  }
0x39: {  	_ = 	snop;
	(pc) =	sbr.ind lr, $3  }
0x3a: {  	_ = 	snop  }
0x3b: {  	_ = 	snop  }
0x3c: {  	p2 =	seq.s32 s10, $0x1;
	s10 =	sld [smem:$0x3FB7]  }
0x3d: {  	_ =	shalt  }
0x3e: {  	_ =	shalt  }
0x3f: {  	_ =	shalt  }
0x40: {  	_ =	shalt  }
0x41: {  	_ =	shalt  }
0x42: {  	_ =	shalt  }
0x43: {  	_ =	shalt  }
0x44: {  	_ =	shalt  }
0x45: {  	_ =	shalt  }
0x46: {  	_ =	shalt  }
0x47: {  	_ =	shalt  }
0x48: {  	_ =	shalt  }
0x49: {  	_ =	shalt  }
0x4a: {  	_ =	shalt  }
0x4b: {  	_ =	shalt  }
0x4c: {  	_ =	shalt  }
0x4d: {  	_ =	shalt  }
0x4e: {  	_ =	shalt  }
0x4f: {  	_ =	shalt  }
0x50: {  	_ =	shalt  }
0x51: {  	_ =	shalt  }
0x52: {  	_ =	shalt  }
0x53: {  	_ =	shalt  }
0x54: {  	_ =	shalt  }
0x55: {  	_ =	shalt  }
0x56: {  	_ =	shalt  }
0x57: {  	_ =	shalt  }
0x58: {  	_ =	shalt  }
0x59: {  	_ =	shalt  }
0x5a: {  	_ =	shalt  }
0x5b: {  	_ =	shalt  }
0x5c: {  	_ =	shalt  }
0x5d: {  	_ =	shalt  }
0x5e: {  	_ =	shalt  }
0x5f: {  	_ =	shalt  }
0x60: {  	_ =	shalt  }
0x61: {  	_ =	shalt  }
0x62: {  	_ =	shalt  }
0x63: {  	_ =	shalt  }
0x64: {  	_ =	shalt  }
0x65: {  	_ =	shalt  }
0x66: {  	_ =	shalt  }
0x67: {  	_ =	shalt  }
0x68: {  	_ =	shalt  }
0x69: {  	_ =	shalt  }
0x6a: {  	_ =	shalt  }
0x6b: {  	_ =	shalt  }
0x6c: {  	_ =	shalt  }
0x6d: {  	_ =	shalt  }
0x6e: {  	_ =	shalt  }
0x6f: {  	_ =	shalt  }
0x70: {  	_ =	shalt  }
0x71: {  	_ =	shalt  }
0x72: {  	_ =	shalt  }
0x73: {  	_ =	shalt  }
0x74: {  	_ =	shalt  }
0x75: {  	_ =	shalt  }
0x76: {  	_ =	shalt  }
0x77: {  	_ =	shalt  }
0x78: {  	_ =	shalt  }
0x79: {  	_ =	shalt  }
0x7a: {  	_ =	shalt  }
0x7b: {  	_ =	shalt  }
0x7c: {  	_ =	shalt  }
0x7d: {  	_ =	shalt  }
0x7e: {  	_ =	shalt  }
0x7f: {  	_ =	shalt  }
0x80: {  	_ =	shalt  }
0x81: {  	_ =	shalt  }
0x82: {  	_ =	shalt  }
0x83: {  	_ =	shalt  }
0x84: {  	_ =	shalt  }
0x85: {  	_ =	shalt  }
0x86: {  	_ =	shalt  }
0x87: {  	_ =	shalt  }
.Lfunc_end0:
.L_simem_size_0:
called_computation.1_lowered:
.L_overlay_start_0:
0x88: {  	s2 =	sld [smem:$0x3FD9]  }
0x89: {  	s3 =	sld [smem:$0x3FFE];
	_ =	sdelay $0x1  }
0x8a: {  	s1 =	srdreg.scid  }
0x8b: {  	s0 =	sand.u32 $0x1, s1  }
0x8c: {  	s17 =	sshll.u32 s0, $0xA;
	s2 =	sadd.s32 s3, s2  }
0x8d: {  	s2 =	sadd.s32 s2, s17  }
0x8e: {  	[smem:$0x3FC3] =	sst s2  }
0x8f: {  	_ = 	snop  }
0x90: {  	s2 =	sld [smem:$0x3FC5];
	(tm) =	ssettm $0x1  }
0x91: {  	s18 =	sld [smem:$0x3FFB];
	_ =	sdelay $0x3  }
0x92: {  	_ =	strace s18  }
0x93: {  	s3 =	sld [smem:$0x3FFC];
	_ =	sdelay $0x3  }
0x94: {  	_ =	strace s3  }
0x95: {  	s3 =	sld [smem:$0x3FFD];
	_ =	sdelay $0x3  }
0x96: {  	_ =	strace s3  }
0x97: {  	_ =	strace $0x8FFFFFFF  }
0x98: {  	s19 =	sld [smem:$0x3FDB];
	_ =	sdelay $0x1  }
0x99: {  	s4 =	simm.s32 $_scs_section_size  }
0x9a: {  	s5 =	simm.s32 $_size__tile_overlayer_lowered;
	s6 =	simm.s32 $_tile_overlayer_lowered  }
0x9b: {  	s22 =	simm.s32 $0x1BFF;
	s21 =	sshll.u32 s6, $0x1;
	s3 =	sadd.s32 s4, s19  }
0x9c: {  	s7 =	simm.s32 $0x0;
	s20 =	sshll.u32 s5, $0x1;
	s5 =	sadd.s32 s21, s3  }
0x9d: {  	[timem:s7], [sflag:s22] =	dma.local [hbm:s5], s20  }
0x9e: {  	_ =	swait.ge [sflag:s22], s20  }
0x9f: {  	s4 =	ssub.s32 $0x0, s20;
	[sflag:s22] =	ssyncset.done $0x0  }
0xa0: {  	[sflag:s22] =	ssyncadd.s32 s4;
	_ =	sdelay $0x1  }
0xa1: {  	s23 =	simm.s32 $0x1B8B  }
0xa2: {  	_ =	swait.ge [sflag:s23], $0x1  }
0xa3: {  	[sflag:s23] =	ssyncset.done $0x0  }
0xa4: {  	s25 =	simm.s32 $0x1B8E;
	s24 =	sld [smem:$0x3FFE];
	[sflag:s23] =	ssyncadd.s32 $0xFFFFFFFF  }
0xa5: {  	s26 =	simm.s32 $execute0_lowered;
	[smem:$0x3FD2] =	sst s25  }
0xa6: {  	s5 =	sshll.u32 s26, $0x1;
	_ =	strace $0x80000049;
	[dreg:$0x1] =	wrdreg $0xFFFFFFFF  }
0xa7: {  	s28 =	simm.s32 $_size_execute0_lowered;
	s3 =	sadd.s32 s3, s5;
	[dreg:$0x0] =	wrdreg $0x0  }
0xa8: {  	s5 =	sshll.u32 s28, $0x1;
	[dreg:$0x2] =	wrdreg s3  }
0xa9: {  	[dreg:$0x3] =	wrdreg s5  }
0xaa: {  	[dreg:$0x4] =	wrdreg $0xC0  }
0xab: {  	_ =	task [dreg:s7], $0x5FFFF  }
0xac: {  	[dreg:$0x1] =	wrdreg $0xFFFFFFFF  }
0xad: {  	[dreg:$0x0] =	wrdreg $0x60  }
0xae: {  	[dreg:$0x2] =	wrdreg s2  }
0xaf: {  	[dreg:$0x3] =	wrdreg s24  }
0xb0: {  	[dreg:$0x4] =	wrdreg $0x9  }
0xb1: {  	_ =	task.clear_ibuf [dreg:s7], $0x5FFFF;
	_ =	strace $0x90000049  }
0xb2: {  	s29 =	simm.s32 $0x9;
	_ =	strace $0x8000004B  }
0xb3: {  	_ =	swait.ge [sflag:s29], $0x1  }
0xb4: {  	[sflag:s29] =	ssyncadd.s32 $0xFFFFFFFF  }
0xb5: {  	_ =	strace $0x9000004B  }
0xb6: {  	_ =	sfence  }
0xb7: {  	s30 =	sld [smem:$0x0];
	_ =	sdelay $0x2  }
0xb8: {  	s31 =	sshll.u32 s1, $0xD;
	s1 =	sshrl.u32 s1, $0x2  }
0xb9: {  	s3 =	sand.u32 $0x4000, s31;
	s1 =	sadd.s32 s1, s30  }
0xba: {  	s0 =	sor.u32 s3, s0;
	s1 =	sshll.u32 s1, $0x11  }
0xbb: {  	s0 =	sor.u32 s1, s0  }
0xbc: {  	s0 =	sadd.s32 $0x8F2B, s0  }
0xbd: {  	[sflag:s0] =	ssyncadd.remote.s32 $0x1  }
0xbe: {  	_ =	sfence.sel $0xFFFF  }
0xbf: {  	[dreg:$0x0] =	wrdreg $0xFFFFFFFF;
	(pc) =	sbr.abs _section_cstart, $3  }
0xc0: {  	[dreg:$0x1] =	wrdreg $0xFFFFFFFF  }
0xc1: {  	_ =	task.clear_ibuf [dreg:s7], $0x2FFFF;
	_ =	strace $0x9FFFFFFF  }
0xc2: {  	(tm) =	ssettm $0x7FFFFFFF  }
0xc3: {  	_ =	shalt  }
tec
execute0_lowered:
.L_overlay_start_1:
0x0: {  	(tag) =	ssettag $0x1  }
0x1: {  	s1 =	rddreg [dreg:$0x0]  }
0x2: {  	s9 =	rddreg [dreg:$0x1]  }
0x3: {  	s0 =	rddreg [dreg:$0x2]  }
0x4: {  	s2 =	simm.s32 $0x0;
	s6 =	srdreg.scid;
	s3 =	stileid.u32  }
0x5: {  	s14 =	simm.s32 $0x18800;
	s15 =	simm.s32 $0x18C00;
	s16 =	simm.s32 $0x19000  }
0x6: {  	s17 =	simm.s32 $0x19400;
	s18 =	simm.s32 $0x19800;
	s19 =	simm.s32 $0x19C00  }
0x7: {  	s20 =	simm.s32 $0x0;
	[smem:$0x7FF] =	sst s2;
	s4 =	sadd.s32 $0xC4600, s9  }
0x8: {  	s5 =	sadd.s32 $0x31C00, s9;
	s10 =	sand.u32 $0x1, s6;
	s8 =	sshll.u32 s3, $0x1  }
0x9: {  	s6 =	sadd.s32 $0x62A00, s9;
	s7 =	sadd.s32 $0x93800, s9;
	p0 =	slt.u32 s3, $0x5  }
0xa: {  	_ =	strace $0x8000004A;
	s11 =	sor.u32 s10, s8;
	s8 =	sadd.s32 $0xE00, s9  }
0xb: {  	s12 =	ssub.s32 $0x2, s10;
	s9 =	sadd.s32 $0xC7800, s9;
	s31 =	smul.u32 $0xC3, s11  }
0xc: {  	s10 =	simm.s32 $0x180;
	s13 =	sshrl.u32 s12, $0x1;
	s11 =	smin.u32 s11, $0xA  }
0xd: {  	s10 =	simm.s32 @!p0 $0x17E;
	s12 =	ssub.s32 s12, s13;
	s11 =	sadd.s32 s11, s31  }
0xe: {  	s13 =	simm.s32 $0x1;
	s12 =	smax.u32 s12, $0x1;
	s11 =	sshll.u32 s11, $0x1  }
.LBB2_1:
0xf: {  	[tilespmem:s2], [sflag:$0x1] =	stream.linear.gather [hbm4b:s4+s2], $0x18800, $0x38;
	[tilespmem:$0x1AC00] =	vst v63  }
0x10: {  	_ =	swait.ge [sflag:s13], $0x18800  }
0x11: {  	[sflag:s13] =	ssyncset.done $0x0  }
0x12: {  	s21 =	simm.s32 $0x0;
	[sflag:s13] =	ssyncadd.s32 $0xFFFE7800  }
.LBB2_2:
0x13: {  	p0 =	slt.s32 s21, s10;
	s22 =	smov.u32 s10  }
0x14: {  	s22 =	smov.u32 @p0 s21  }
0x15: {  	s22 =	sadd.s32 s11, s22  }
0x16: {  	s23 =	sshll.u32 s22, $0x4  }
0x17: {  	s23 =	sand.u32 $0x1FFFFFE0, s23  }
0x18: {  	s24 =	sadd.s32 s1, s23  }
0x19: {  	[tilespmem:s14], [sflag:$0x1] =	stream.linear.gather [hbm4b:s24+s2], $0x400, $0x38;
	[tilespmem:$0x1AC00] =	vst v63  }
0x1a: {  	_ =	swait.ge [sflag:s13], $0x400  }
0x1b: {  	[sflag:s13] =	ssyncset.done $0x0  }
0x1c: {  	s29 =	sadd.s32 s5, s23;
	[sflag:s13] =	ssyncadd.s32 $0xFFFFFC00  }
0x1d: {  	[tilespmem:s15], [sflag:$0x1] =	stream.linear.gather [hbm4b:s29+s2], $0x400, $0x38;
	[tilespmem:$0x1AC00] =	vst v63  }
0x1e: {  	_ =	swait.ge [sflag:s13], $0x400  }
0x1f: {  	[sflag:s13] =	ssyncset.done $0x0  }
0x20: {  	s30 =	sadd.s32 s6, s23;
	[sflag:s13] =	ssyncadd.s32 $0xFFFFFC00  }
0x21: {  	[tilespmem:s16], [sflag:$0x1] =	stream.linear.gather [hbm4b:s30+s2], $0x400, $0x38;
	[tilespmem:$0x1AC00] =	vst v63  }
0x22: {  	_ =	swait.ge [sflag:s13], $0x400  }
0x23: {  	[sflag:s13] =	ssyncset.done $0x0  }
0x24: {  	s31 =	sadd.s32 s7, s23;
	[sflag:s13] =	ssyncadd.s32 $0xFFFFFC00  }
0x25: {  	[tilespmem:s17], [sflag:$0x1] =	stream.linear.gather [hbm4b:s31+s2], $0x400, $0x38;
	[tilespmem:$0x1AC00] =	vst v63  }
0x26: {  	_ =	swait.ge [sflag:s13], $0x400  }
0x27: {  	[sflag:s13] =	ssyncset.done $0x0  }
0x28: {  	s23 =	sadd.s32 s8, s23;
	[sflag:s13] =	ssyncadd.s32 $0xFFFFFC00  }
0x29: {  	[tilespmem:s18], [sflag:$0x1] =	stream.linear.gather [hbm4b:s23+s2], $0x400, $0x38;
	[tilespmem:$0x1AC00] =	vst v63  }
0x2a: {  	_ =	swait.ge [sflag:s13], $0x400  }
0x2b: {  	[sflag:s13] =	ssyncset.done $0x0  }
0x2c: {  	[sflag:s13] =	ssyncadd.s32 $0xFFFFFC00  }
0x2d: {  	v0 =	vld [tilespmem:$0x18800];
	_ =	sdelay $0x5  }
0x2e: {  	v1 =	vld [tilespmem:$0x18C00]  }
0x2f: {  	v2 =	vld [tilespmem:$0x19000]  }
0x30: {  	v0 =	vld.idx.msk [tilespmem:v0+s2+$0x0], $0xffff  }
0x31: {  	v3 =	vld [tilespmem:$0x19400]  }
0x32: {  	v4 =	vld [tilespmem:$0x19800]  }
0x33: {  	v5 =	vld [tilespmem:$0x18810];
	_ =	sdelay $0x1  }
0x34: {  	v1 =	vadd.f32 v1, v0  }
0x35: {  	v2 =	vadd.f32 v2, v0  }
0x36: {  	v24 =	vadd.f32 v3, v0;
	[tilespmem:$0x19C00] =	vst v1  }
0x37: {  	v0 =	vadd.f32 v4, v0;
	[tilespmem:$0x19C80] =	vst v2  }
0x38: {  	v25 =	vld [tilespmem:$0x18C10];
	[tilespmem:$0x19D00] =	vst v24  }
0x39: {  	v26 =	vld [tilespmem:$0x19010];
	[tilespmem:$0x19D80] =	vst v0  }
0x3a: {  	v0 =	vld.idx.msk [tilespmem:v5+s2+$0x0], $0xffff  }
0x3b: {  	v27 =	vld [tilespmem:$0x19410]  }
0x3c: {  	v28 =	vld [tilespmem:$0x19810]  }
0x3d: {  	v29 =	vld [tilespmem:$0x18820];
	_ =	sdelay $0x1  }
0x3e: {  	v1 =	vadd.f32 v25, v0  }
0x3f: {  	v2 =	vadd.f32 v26, v0  }
0x40: {  	v30 =	vadd.f32 v27, v0;
	[tilespmem:$0x19C10] =	vst v1  }
0x41: {  	v0 =	vadd.f32 v28, v0;
	[tilespmem:$0x19C90] =	vst v2  }
0x42: {  	v31 =	vld [tilespmem:$0x18C20];
	[tilespmem:$0x19D10] =	vst v30  }
0x43: {  	v32 =	vld [tilespmem:$0x19020];
	[tilespmem:$0x19D90] =	vst v0  }
0x44: {  	v0 =	vld.idx.msk [tilespmem:v29+s2+$0x0], $0xffff  }
0x45: {  	v33 =	vld [tilespmem:$0x19420]  }
0x46: {  	v34 =	vld [tilespmem:$0x19820]  }
0x47: {  	v35 =	vld [tilespmem:$0x18830];
	_ =	sdelay $0x1  }
0x48: {  	v1 =	vadd.f32 v31, v0  }
0x49: {  	v2 =	vadd.f32 v32, v0  }
0x4a: {  	v36 =	vadd.f32 v33, v0;
	[tilespmem:$0x19C20] =	vst v1  }
0x4b: {  	v0 =	vadd.f32 v34, v0;
	[tilespmem:$0x19CA0] =	vst v2  }
0x4c: {  	v37 =	vld [tilespmem:$0x18C30];
	[tilespmem:$0x19D20] =	vst v36  }
0x4d: {  	v38 =	vld [tilespmem:$0x19030];
	[tilespmem:$0x19DA0] =	vst v0  }
0x4e: {  	v0 =	vld.idx.msk [tilespmem:v35+s2+$0x0], $0xffff  }
0x4f: {  	v39 =	vld [tilespmem:$0x19430]  }
0x50: {  	v40 =	vld [tilespmem:$0x19830]  }
0x51: {  	v41 =	vld [tilespmem:$0x18840];
	_ =	sdelay $0x1  }
0x52: {  	v1 =	vadd.f32 v37, v0  }
0x53: {  	v2 =	vadd.f32 v38, v0  }
0x54: {  	v42 =	vadd.f32 v39, v0;
	[tilespmem:$0x19C30] =	vst v1  }
0x55: {  	v0 =	vadd.f32 v40, v0;
	[tilespmem:$0x19CB0] =	vst v2  }
0x56: {  	v43 =	vld [tilespmem:$0x18C40];
	[tilespmem:$0x19D30] =	vst v42  }
0x57: {  	v44 =	vld [tilespmem:$0x19040];
	[tilespmem:$0x19DB0] =	vst v0  }
0x58: {  	v0 =	vld.idx.msk [tilespmem:v41+s2+$0x0], $0xffff  }
0x59: {  	v45 =	vld [tilespmem:$0x19440]  }
0x5a: {  	v46 =	vld [tilespmem:$0x19840]  }
0x5b: {  	v47 =	vld [tilespmem:$0x18850];
	_ =	sdelay $0x1  }
0x5c: {  	v1 =	vadd.f32 v43, v0  }
0x5d: {  	v2 =	vadd.f32 v44, v0  }
0x5e: {  	v48 =	vadd.f32 v45, v0;
	[tilespmem:$0x19C40] =	vst v1  }
0x5f: {  	v0 =	vadd.f32 v46, v0;
	[tilespmem:$0x19CC0] =	vst v2  }
0x60: {  	v49 =	vld [tilespmem:$0x18C50];
	[tilespmem:$0x19D40] =	vst v48  }
0x61: {  	v50 =	vld [tilespmem:$0x19050];
	[tilespmem:$0x19DC0] =	vst v0  }
0x62: {  	v0 =	vld.idx.msk [tilespmem:v47+s2+$0x0], $0xffff  }
0x63: {  	v51 =	vld [tilespmem:$0x19450]  }
0x64: {  	v52 =	vld [tilespmem:$0x19850]  }
0x65: {  	v53 =	vld [tilespmem:$0x18860];
	_ =	sdelay $0x1  }
0x66: {  	v1 =	vadd.f32 v49, v0  }
0x67: {  	v2 =	vadd.f32 v50, v0  }
0x68: {  	v54 =	vadd.f32 v51, v0;
	[tilespmem:$0x19C50] =	vst v1  }
0x69: {  	v0 =	vadd.f32 v52, v0;
	[tilespmem:$0x19CD0] =	vst v2  }
0x6a: {  	v55 =	vld [tilespmem:$0x18C60];
	[tilespmem:$0x19D50] =	vst v54  }
0x6b: {  	v56 =	vld [tilespmem:$0x19060];
	[tilespmem:$0x19DD0] =	vst v0  }
0x6c: {  	v0 =	vld.idx.msk [tilespmem:v53+s2+$0x0], $0xffff  }
0x6d: {  	v57 =	vld [tilespmem:$0x19460]  }
0x6e: {  	v58 =	vld [tilespmem:$0x19860]  }
0x6f: {  	v59 =	vld [tilespmem:$0x18870];
	_ =	sdelay $0x1  }
0x70: {  	v1 =	vadd.f32 v55, v0  }
0x71: {  	v2 =	vadd.f32 v56, v0  }
0x72: {  	v60 =	vadd.f32 v57, v0;
	[tilespmem:$0x19C60] =	vst v1  }
0x73: {  	v0 =	vadd.f32 v58, v0;
	[tilespmem:$0x19CE0] =	vst v2  }
0x74: {  	v61 =	vld [tilespmem:$0x18C70];
	[tilespmem:$0x19D60] =	vst v60  }
0x75: {  	v62 =	vld [tilespmem:$0x19070];
	[tilespmem:$0x19DE0] =	vst v0  }
0x76: {  	v0 =	vld.idx.msk [tilespmem:v59+s2+$0x0], $0xffff  }
0x77: {  	v63 =	vld [tilespmem:$0x19470]  }
0x78: {  	v8 =	vld [tilespmem:$0x19870]  }
0x79: {  	v9 =	vld [tilespmem:$0x18880];
	_ =	sdelay $0x1  }
0x7a: {  	v1 =	vadd.f32 v61, v0  }
0x7b: {  	v2 =	vadd.f32 v62, v0  }
0x7c: {  	v10 =	vadd.f32 v63, v0;
	[tilespmem:$0x19C70] =	vst v1  }
0x7d: {  	v0 =	vadd.f32 v8, v0;
	[tilespmem:$0x19CF0] =	vst v2  }
0x7e: {  	v11 =	vld [tilespmem:$0x18C80];
	[tilespmem:$0x19D70] =	vst v10  }
0x7f: {  	v12 =	vld [tilespmem:$0x19080];
	[tilespmem:$0x19DF0] =	vst v0  }
0x80: {  	v0 =	vld.idx.msk [tilespmem:v9+s2+$0x0], $0xffff  }
0x81: {  	v13 =	vld [tilespmem:$0x19480]  }
0x82: {  	v14 =	vld [tilespmem:$0x19880]  }
0x83: {  	v15 =	vld [tilespmem:$0x18890];
	_ =	sdelay $0x1  }
0x84: {  	v1 =	vadd.f32 v11, v0  }
0x85: {  	v2 =	vadd.f32 v12, v0  }
0x86: {  	v16 =	vadd.f32 v13, v0;
	[tilespmem:$0x19E00] =	vst v1  }
0x87: {  	v0 =	vadd.f32 v14, v0;
	[tilespmem:$0x19E80] =	vst v2  }
0x88: {  	v17 =	vld [tilespmem:$0x18C90];
	[tilespmem:$0x19F00] =	vst v16  }
0x89: {  	v18 =	vld [tilespmem:$0x19090];
	[tilespmem:$0x19F80] =	vst v0  }
0x8a: {  	v0 =	vld.idx.msk [tilespmem:v15+s2+$0x0], $0xffff  }
0x8b: {  	v19 =	vld [tilespmem:$0x19490]  }
0x8c: {  	v20 =	vld [tilespmem:$0x19890]  }
0x8d: {  	v21 =	vld [tilespmem:$0x188A0];
	_ =	sdelay $0x1  }
0x8e: {  	v1 =	vadd.f32 v17, v0  }
0x8f: {  	v2 =	vadd.f32 v18, v0  }
0x90: {  	v22 =	vadd.f32 v19, v0;
	[tilespmem:$0x19E10] =	vst v1  }
0x91: {  	v0 =	vadd.f32 v20, v0;
	[tilespmem:$0x19E90] =	vst v2  }
0x92: {  	v23 =	vld [tilespmem:$0x18CA0];
	[tilespmem:$0x19F10] =	vst v22  }
0x93: {  	v24 =	vld [tilespmem:$0x190A0];
	[tilespmem:$0x19F90] =	vst v0  }
0x94: {  	v0 =	vld.idx.msk [tilespmem:v21+s2+$0x0], $0xffff  }
0x95: {  	v25 =	vld [tilespmem:$0x194A0]  }
0x96: {  	v26 =	vld [tilespmem:$0x198A0]  }
0x97: {  	v27 =	vld [tilespmem:$0x188B0];
	_ =	sdelay $0x1  }
0x98: {  	v1 =	vadd.f32 v23, v0  }
0x99: {  	v2 =	vadd.f32 v24, v0  }
0x9a: {  	v28 =	vadd.f32 v25, v0;
	[tilespmem:$0x19E20] =	vst v1  }
0x9b: {  	v0 =	vadd.f32 v26, v0;
	[tilespmem:$0x19EA0] =	vst v2  }
0x9c: {  	v30 =	vld [tilespmem:$0x190B0];
	[tilespmem:$0x19F20] =	vst v28  }
0x9d: {  	v29 =	vld [tilespmem:$0x18CB0];
	[tilespmem:$0x19FA0] =	vst v0  }
0x9e: {  	v0 =	vld.idx.msk [tilespmem:v27+s2+$0x0], $0xffff  }
0x9f: {  	v31 =	vld [tilespmem:$0x194B0]  }
0xa0: {  	v32 =	vld [tilespmem:$0x198B0]  }
0xa1: {  	v33 =	vld [tilespmem:$0x188C0];
	_ =	sdelay $0x1  }
0xa2: {  	v1 =	vadd.f32 v29, v0  }
0xa3: {  	v2 =	vadd.f32 v30, v0  }
0xa4: {  	v34 =	vadd.f32 v31, v0;
	[tilespmem:$0x19E30] =	vst v1  }
0xa5: {  	v0 =	vadd.f32 v32, v0;
	[tilespmem:$0x19EB0] =	vst v2  }
0xa6: {  	v36 =	vld [tilespmem:$0x190C0];
	[tilespmem:$0x19F30] =	vst v34  }
0xa7: {  	v35 =	vld [tilespmem:$0x18CC0];
	[tilespmem:$0x19FB0] =	vst v0  }
0xa8: {  	v0 =	vld.idx.msk [tilespmem:v33+s2+$0x0], $0xffff  }
0xa9: {  	v37 =	vld [tilespmem:$0x194C0]  }
0xaa: {  	v38 =	vld [tilespmem:$0x198C0]  }
0xab: {  	v39 =	vld [tilespmem:$0x188D0];
	_ =	sdelay $0x1  }
0xac: {  	v1 =	vadd.f32 v35, v0  }
0xad: {  	v2 =	vadd.f32 v36, v0  }
0xae: {  	v40 =	vadd.f32 v37, v0;
	[tilespmem:$0x19E40] =	vst v1  }
0xaf: {  	v0 =	vadd.f32 v38, v0;
	[tilespmem:$0x19EC0] =	vst v2  }
0xb0: {  	v42 =	vld [tilespmem:$0x190D0];
	[tilespmem:$0x19F40] =	vst v40  }
0xb1: {  	v41 =	vld [tilespmem:$0x18CD0];
	[tilespmem:$0x19FC0] =	vst v0  }
0xb2: {  	v0 =	vld.idx.msk [tilespmem:v39+s2+$0x0], $0xffff  }
0xb3: {  	v43 =	vld [tilespmem:$0x194D0]  }
0xb4: {  	v44 =	vld [tilespmem:$0x198D0]  }
0xb5: {  	v45 =	vld [tilespmem:$0x188E0];
	_ =	sdelay $0x1  }
0xb6: {  	v1 =	vadd.f32 v41, v0  }
0xb7: {  	v2 =	vadd.f32 v42, v0  }
0xb8: {  	v46 =	vadd.f32 v43, v0;
	[tilespmem:$0x19E50] =	vst v1  }
0xb9: {  	v0 =	vadd.f32 v44, v0;
	[tilespmem:$0x19ED0] =	vst v2  }
0xba: {  	[tilespmem:$0x19F50] =	vst v46  }
0xbb: {  	v47 =	vld [tilespmem:$0x18CE0];
	[tilespmem:$0x19FD0] =	vst v0  }
0xbc: {  	v0 =	vld.idx.msk [tilespmem:v45+s2+$0x0], $0xffff;
	_ =	sdelay $0x4  }
0xbd: {  	v1 =	vadd.f32 v47, v0;
	_ =	sdelay $0x1  }
0xbe: {  	[tilespmem:$0x19E60] =	vst v1  }
0xbf: {  	v1 =	vld [tilespmem:$0x190E0]  }
0xc0: {  	v48 =	vld [tilespmem:$0x194E0]  }
0xc1: {  	v49 =	vld [tilespmem:$0x198E0]  }
0xc2: {  	v50 =	vld [tilespmem:$0x188F0];
	_ =	sdelay $0x2  }
0xc3: {  	v1 =	vadd.f32 v1, v0  }
0xc4: {  	v2 =	vadd.f32 v48, v0  }
0xc5: {  	v0 =	vadd.f32 v49, v0;
	[tilespmem:$0x19EE0] =	vst v1  }
0xc6: {  	v51 =	vld [tilespmem:$0x18CF0];
	[tilespmem:$0x19F60] =	vst v2  }
0xc7: {  	v52 =	vld [tilespmem:$0x190F0];
	[tilespmem:$0x19FE0] =	vst v0  }
0xc8: {  	v0 =	vld.idx.msk [tilespmem:v50+s2+$0x0], $0xffff  }
0xc9: {  	v53 =	vld [tilespmem:$0x194F0]  }
0xca: {  	v54 =	vld [tilespmem:$0x198F0]  }
0xcb: {  	v55 =	vld [tilespmem:$0x18900];
	_ =	sdelay $0x1  }
0xcc: {  	v1 =	vadd.f32 v51, v0  }
0xcd: {  	v2 =	vadd.f32 v52, v0  }
0xce: {  	v56 =	vadd.f32 v53, v0;
	[tilespmem:$0x19E70] =	vst v1  }
0xcf: {  	v0 =	vadd.f32 v54, v0;
	[tilespmem:$0x19EF0] =	vst v2  }
0xd0: {  	v57 =	vld [tilespmem:$0x18D00];
	[tilespmem:$0x19F70] =	vst v56  }
0xd1: {  	v58 =	vld [tilespmem:$0x19100];
	[tilespmem:$0x19FF0] =	vst v0  }
0xd2: {  	v0 =	vld.idx.msk [tilespmem:v55+s2+$0x0], $0xffff  }
0xd3: {  	v59 =	vld [tilespmem:$0x19500]  }
0xd4: {  	v60 =	vld [tilespmem:$0x19900]  }
0xd5: {  	v61 =	vld [tilespmem:$0x18910];
	_ =	sdelay $0x1  }
0xd6: {  	v1 =	vadd.f32 v57, v0  }
0xd7: {  	v2 =	vadd.f32 v58, v0  }
0xd8: {  	v62 =	vadd.f32 v59, v0;
	[tilespmem:$0x1A000] =	vst v1  }
0xd9: {  	v0 =	vadd.f32 v60, v0;
	[tilespmem:$0x1A080] =	vst v2  }
0xda: {  	v63 =	vld [tilespmem:$0x18D10];
	[tilespmem:$0x1A100] =	vst v62  }
0xdb: {  	v8 =	vld [tilespmem:$0x19110];
	[tilespmem:$0x1A180] =	vst v0  }
0xdc: {  	v0 =	vld.idx.msk [tilespmem:v61+s2+$0x0], $0xffff  }
0xdd: {  	v9 =	vld [tilespmem:$0x19510]  }
0xde: {  	v10 =	vld [tilespmem:$0x19910]  }
0xdf: {  	v11 =	vld [tilespmem:$0x18920];
	_ =	sdelay $0x1  }
0xe0: {  	v1 =	vadd.f32 v63, v0  }
0xe1: {  	v2 =	vadd.f32 v8, v0  }
0xe2: {  	v12 =	vadd.f32 v9, v0;
	[tilespmem:$0x1A010] =	vst v1  }
0xe3: {  	v0 =	vadd.f32 v10, v0;
	[tilespmem:$0x1A090] =	vst v2  }
0xe4: {  	v13 =	vld [tilespmem:$0x18D20];
	[tilespmem:$0x1A110] =	vst v12  }
0xe5: {  	v14 =	vld [tilespmem:$0x19120];
	[tilespmem:$0x1A190] =	vst v0  }
0xe6: {  	v0 =	vld.idx.msk [tilespmem:v11+s2+$0x0], $0xffff  }
0xe7: {  	v15 =	vld [tilespmem:$0x19520]  }
0xe8: {  	v16 =	vld [tilespmem:$0x19920]  }
0xe9: {  	v17 =	vld [tilespmem:$0x18930];
	_ =	sdelay $0x1  }
0xea: {  	v1 =	vadd.f32 v13, v0  }
0xeb: {  	v2 =	vadd.f32 v14, v0  }
0xec: {  	v18 =	vadd.f32 v15, v0;
	[tilespmem:$0x1A020] =	vst v1  }
0xed: {  	v0 =	vadd.f32 v16, v0;
	[tilespmem:$0x1A0A0] =	vst v2  }
0xee: {  	v19 =	vld [tilespmem:$0x18D30];
	[tilespmem:$0x1A120] =	vst v18  }
0xef: {  	v20 =	vld [tilespmem:$0x19130];
	[tilespmem:$0x1A1A0] =	vst v0  }
0xf0: {  	v0 =	vld.idx.msk [tilespmem:v17+s2+$0x0], $0xffff  }
0xf1: {  	v21 =	vld [tilespmem:$0x19530]  }
0xf2: {  	v22 =	vld [tilespmem:$0x19930]  }
0xf3: {  	v23 =	vld [tilespmem:$0x18940];
	_ =	sdelay $0x1  }
0xf4: {  	v1 =	vadd.f32 v19, v0  }
0xf5: {  	v2 =	vadd.f32 v20, v0  }
0xf6: {  	v24 =	vadd.f32 v21, v0;
	[tilespmem:$0x1A030] =	vst v1  }
0xf7: {  	v0 =	vadd.f32 v22, v0;
	[tilespmem:$0x1A0B0] =	vst v2  }
0xf8: {  	v25 =	vld [tilespmem:$0x18D40];
	[tilespmem:$0x1A130] =	vst v24  }
0xf9: {  	v26 =	vld [tilespmem:$0x19140];
	[tilespmem:$0x1A1B0] =	vst v0  }
0xfa: {  	v0 =	vld.idx.msk [tilespmem:v23+s2+$0x0], $0xffff  }
0xfb: {  	v27 =	vld [tilespmem:$0x19540]  }
0xfc: {  	v28 =	vld [tilespmem:$0x19940]  }
0xfd: {  	v29 =	vld [tilespmem:$0x18950];
	_ =	sdelay $0x1  }
0xfe: {  	v1 =	vadd.f32 v25, v0  }
0xff: {  	v2 =	vadd.f32 v26, v0  }
0x100: {  	v30 =	vadd.f32 v27, v0;
	[tilespmem:$0x1A040] =	vst v1  }
0x101: {  	v0 =	vadd.f32 v28, v0;
	[tilespmem:$0x1A0C0] =	vst v2  }
0x102: {  	v31 =	vld [tilespmem:$0x18D50];
	[tilespmem:$0x1A140] =	vst v30  }
0x103: {  	v32 =	vld [tilespmem:$0x19150];
	[tilespmem:$0x1A1C0] =	vst v0  }
0x104: {  	v0 =	vld.idx.msk [tilespmem:v29+s2+$0x0], $0xffff  }
0x105: {  	v33 =	vld [tilespmem:$0x19550]  }
0x106: {  	v34 =	vld [tilespmem:$0x19950]  }
0x107: {  	v35 =	vld [tilespmem:$0x18960];
	_ =	sdelay $0x1  }
0x108: {  	v1 =	vadd.f32 v31, v0  }
0x109: {  	v2 =	vadd.f32 v32, v0  }
0x10a: {  	v36 =	vadd.f32 v33, v0;
	[tilespmem:$0x1A050] =	vst v1  }
0x10b: {  	v0 =	vadd.f32 v34, v0;
	[tilespmem:$0x1A0D0] =	vst v2  }
0x10c: {  	v37 =	vld [tilespmem:$0x18D60];
	[tilespmem:$0x1A150] =	vst v36  }
0x10d: {  	v38 =	vld [tilespmem:$0x19160];
	[tilespmem:$0x1A1D0] =	vst v0  }
0x10e: {  	v0 =	vld.idx.msk [tilespmem:v35+s2+$0x0], $0xffff  }
0x10f: {  	v39 =	vld [tilespmem:$0x19560]  }
0x110: {  	v40 =	vld [tilespmem:$0x19960]  }
0x111: {  	v41 =	vld [tilespmem:$0x18970];
	_ =	sdelay $0x1  }
0x112: {  	v1 =	vadd.f32 v37, v0  }
0x113: {  	v2 =	vadd.f32 v38, v0  }
0x114: {  	v42 =	vadd.f32 v39, v0;
	[tilespmem:$0x1A060] =	vst v1  }
0x115: {  	v0 =	vadd.f32 v40, v0;
	[tilespmem:$0x1A0E0] =	vst v2  }
0x116: {  	v43 =	vld [tilespmem:$0x18D70];
	[tilespmem:$0x1A160] =	vst v42  }
0x117: {  	v44 =	vld [tilespmem:$0x19170];
	[tilespmem:$0x1A1E0] =	vst v0  }
0x118: {  	v0 =	vld.idx.msk [tilespmem:v41+s2+$0x0], $0xffff  }
0x119: {  	v45 =	vld [tilespmem:$0x19570]  }
0x11a: {  	v46 =	vld [tilespmem:$0x19970]  }
0x11b: {  	v47 =	vld [tilespmem:$0x18980];
	_ =	sdelay $0x1  }
0x11c: {  	v1 =	vadd.f32 v43, v0  }
0x11d: {  	v2 =	vadd.f32 v44, v0  }
0x11e: {  	v48 =	vadd.f32 v45, v0;
	[tilespmem:$0x1A070] =	vst v1  }
0x11f: {  	v0 =	vadd.f32 v46, v0;
	[tilespmem:$0x1A0F0] =	vst v2  }
0x120: {  	v49 =	vld [tilespmem:$0x18D80];
	[tilespmem:$0x1A170] =	vst v48  }
0x121: {  	v50 =	vld [tilespmem:$0x19180];
	[tilespmem:$0x1A1F0] =	vst v0  }
0x122: {  	v0 =	vld.idx.msk [tilespmem:v47+s2+$0x0], $0xffff  }
0x123: {  	v51 =	vld [tilespmem:$0x19580]  }
0x124: {  	v52 =	vld [tilespmem:$0x19980]  }
0x125: {  	v53 =	vld [tilespmem:$0x18990];
	_ =	sdelay $0x1  }
0x126: {  	v1 =	vadd.f32 v49, v0  }
0x127: {  	v2 =	vadd.f32 v50, v0  }
0x128: {  	v54 =	vadd.f32 v51, v0;
	[tilespmem:$0x1A200] =	vst v1  }
0x129: {  	v0 =	vadd.f32 v52, v0;
	[tilespmem:$0x1A280] =	vst v2  }
0x12a: {  	v56 =	vld [tilespmem:$0x19190];
	[tilespmem:$0x1A300] =	vst v54  }
0x12b: {  	v55 =	vld [tilespmem:$0x18D90];
	[tilespmem:$0x1A380] =	vst v0  }
0x12c: {  	v0 =	vld.idx.msk [tilespmem:v53+s2+$0x0], $0xffff  }
0x12d: {  	v57 =	vld [tilespmem:$0x19590]  }
0x12e: {  	v58 =	vld [tilespmem:$0x19990]  }
0x12f: {  	v59 =	vld [tilespmem:$0x189A0];
	_ =	sdelay $0x1  }
0x130: {  	v1 =	vadd.f32 v55, v0  }
0x131: {  	v2 =	vadd.f32 v56, v0  }
0x132: {  	v60 =	vadd.f32 v57, v0;
	[tilespmem:$0x1A210] =	vst v1  }
0x133: {  	v0 =	vadd.f32 v58, v0;
	[tilespmem:$0x1A290] =	vst v2  }
0x134: {  	v62 =	vld [tilespmem:$0x191A0];
	[tilespmem:$0x1A310] =	vst v60  }
0x135: {  	v61 =	vld [tilespmem:$0x18DA0];
	[tilespmem:$0x1A390] =	vst v0  }
0x136: {  	v0 =	vld.idx.msk [tilespmem:v59+s2+$0x0], $0xffff  }
0x137: {  	v63 =	vld [tilespmem:$0x195A0]  }
0x138: {  	v8 =	vld [tilespmem:$0x199A0]  }
0x139: {  	v9 =	vld [tilespmem:$0x189B0];
	_ =	sdelay $0x1  }
0x13a: {  	v1 =	vadd.f32 v61, v0  }
0x13b: {  	v2 =	vadd.f32 v62, v0  }
0x13c: {  	v10 =	vadd.f32 v63, v0;
	[tilespmem:$0x1A220] =	vst v1  }
0x13d: {  	v0 =	vadd.f32 v8, v0;
	[tilespmem:$0x1A2A0] =	vst v2  }
0x13e: {  	v12 =	vld [tilespmem:$0x191B0];
	[tilespmem:$0x1A320] =	vst v10  }
0x13f: {  	v11 =	vld [tilespmem:$0x18DB0];
	[tilespmem:$0x1A3A0] =	vst v0  }
0x140: {  	v0 =	vld.idx.msk [tilespmem:v9+s2+$0x0], $0xffff  }
0x141: {  	v13 =	vld [tilespmem:$0x195B0]  }
0x142: {  	v14 =	vld [tilespmem:$0x199B0]  }
0x143: {  	v15 =	vld [tilespmem:$0x189C0];
	_ =	sdelay $0x1  }
0x144: {  	v1 =	vadd.f32 v11, v0  }
0x145: {  	v2 =	vadd.f32 v12, v0  }
0x146: {  	v16 =	vadd.f32 v13, v0;
	[tilespmem:$0x1A230] =	vst v1  }
0x147: {  	v0 =	vadd.f32 v14, v0;
	[tilespmem:$0x1A2B0] =	vst v2  }
0x148: {  	v18 =	vld [tilespmem:$0x191C0];
	[tilespmem:$0x1A330] =	vst v16  }
0x149: {  	v17 =	vld [tilespmem:$0x18DC0];
	[tilespmem:$0x1A3B0] =	vst v0  }
0x14a: {  	v0 =	vld.idx.msk [tilespmem:v15+s2+$0x0], $0xffff  }
0x14b: {  	v19 =	vld [tilespmem:$0x195C0]  }
0x14c: {  	v20 =	vld [tilespmem:$0x199C0]  }
0x14d: {  	v21 =	vld [tilespmem:$0x189D0];
	_ =	sdelay $0x1  }
0x14e: {  	v1 =	vadd.f32 v17, v0  }
0x14f: {  	v2 =	vadd.f32 v18, v0  }
0x150: {  	v22 =	vadd.f32 v19, v0;
	[tilespmem:$0x1A240] =	vst v1  }
0x151: {  	v0 =	vadd.f32 v20, v0;
	[tilespmem:$0x1A2C0] =	vst v2  }
0x152: {  	v24 =	vld [tilespmem:$0x191D0];
	[tilespmem:$0x1A340] =	vst v22  }
0x153: {  	v23 =	vld [tilespmem:$0x18DD0];
	[tilespmem:$0x1A3C0] =	vst v0  }
0x154: {  	v0 =	vld.idx.msk [tilespmem:v21+s2+$0x0], $0xffff  }
0x155: {  	v25 =	vld [tilespmem:$0x195D0]  }
0x156: {  	v26 =	vld [tilespmem:$0x199D0]  }
0x157: {  	v27 =	vld [tilespmem:$0x189E0];
	_ =	sdelay $0x1  }
0x158: {  	v1 =	vadd.f32 v23, v0  }
0x159: {  	v2 =	vadd.f32 v24, v0  }
0x15a: {  	v28 =	vadd.f32 v25, v0;
	[tilespmem:$0x1A250] =	vst v1  }
0x15b: {  	v0 =	vadd.f32 v26, v0;
	[tilespmem:$0x1A2D0] =	vst v2  }
0x15c: {  	v30 =	vld [tilespmem:$0x191E0];
	[tilespmem:$0x1A350] =	vst v28  }
0x15d: {  	v29 =	vld [tilespmem:$0x18DE0];
	[tilespmem:$0x1A3D0] =	vst v0  }
0x15e: {  	v0 =	vld.idx.msk [tilespmem:v27+s2+$0x0], $0xffff  }
0x15f: {  	v31 =	vld [tilespmem:$0x195E0]  }
0x160: {  	v32 =	vld [tilespmem:$0x199E0]  }
0x161: {  	v33 =	vld [tilespmem:$0x189F0];
	_ =	sdelay $0x1  }
0x162: {  	v1 =	vadd.f32 v29, v0  }
0x163: {  	v2 =	vadd.f32 v30, v0  }
0x164: {  	v34 =	vadd.f32 v31, v0;
	[tilespmem:$0x1A260] =	vst v1  }
0x165: {  	v0 =	vadd.f32 v32, v0;
	[tilespmem:$0x1A2E0] =	vst v2  }
0x166: {  	v36 =	vld [tilespmem:$0x191F0];
	[tilespmem:$0x1A360] =	vst v34  }
0x167: {  	v35 =	vld [tilespmem:$0x18DF0];
	[tilespmem:$0x1A3E0] =	vst v0  }
0x168: {  	v0 =	vld.idx.msk [tilespmem:v33+s2+$0x0], $0xffff  }
0x169: {  	v37 =	vld [tilespmem:$0x195F0]  }
0x16a: {  	v38 =	vld [tilespmem:$0x199F0]  }
0x16b: {  	v39 =	vld [tilespmem:$0x18A00];
	_ =	sdelay $0x1  }
0x16c: {  	v1 =	vadd.f32 v35, v0  }
0x16d: {  	v2 =	vadd.f32 v36, v0  }
0x16e: {  	v40 =	vadd.f32 v37, v0;
	[tilespmem:$0x1A270] =	vst v1  }
0x16f: {  	v0 =	vadd.f32 v38, v0;
	[tilespmem:$0x1A2F0] =	vst v2  }
0x170: {  	v42 =	vld [tilespmem:$0x19200];
	[tilespmem:$0x1A370] =	vst v40  }
0x171: {  	v41 =	vld [tilespmem:$0x18E00];
	[tilespmem:$0x1A3F0] =	vst v0  }
0x172: {  	v0 =	vld.idx.msk [tilespmem:v39+s2+$0x0], $0xffff  }
0x173: {  	v43 =	vld [tilespmem:$0x19600]  }
0x174: {  	v44 =	vld [tilespmem:$0x19A00]  }
0x175: {  	v45 =	vld [tilespmem:$0x18A10];
	_ =	sdelay $0x1  }
0x176: {  	v1 =	vadd.f32 v41, v0  }
0x177: {  	v2 =	vadd.f32 v42, v0  }
0x178: {  	v46 =	vadd.f32 v43, v0;
	[tilespmem:$0x1A400] =	vst v1  }
0x179: {  	v0 =	vadd.f32 v44, v0;
	[tilespmem:$0x1A480] =	vst v2  }
0x17a: {  	v48 =	vld [tilespmem:$0x19210];
	[tilespmem:$0x1A500] =	vst v46  }
0x17b: {  	v47 =	vld [tilespmem:$0x18E10];
	[tilespmem:$0x1A580] =	vst v0  }
0x17c: {  	v0 =	vld.idx.msk [tilespmem:v45+s2+$0x0], $0xffff  }
0x17d: {  	v49 =	vld [tilespmem:$0x19610]  }
0x17e: {  	v50 =	vld [tilespmem:$0x19A10]  }
0x17f: {  	v51 =	vld [tilespmem:$0x18A20];
	_ =	sdelay $0x1  }
0x180: {  	v1 =	vadd.f32 v47, v0  }
0x181: {  	v2 =	vadd.f32 v48, v0  }
0x182: {  	v52 =	vadd.f32 v49, v0;
	[tilespmem:$0x1A410] =	vst v1  }
0x183: {  	v0 =	vadd.f32 v50, v0;
	[tilespmem:$0x1A490] =	vst v2  }
0x184: {  	v54 =	vld [tilespmem:$0x19220];
	[tilespmem:$0x1A510] =	vst v52  }
0x185: {  	v53 =	vld [tilespmem:$0x18E20];
	[tilespmem:$0x1A590] =	vst v0  }
0x186: {  	v0 =	vld.idx.msk [tilespmem:v51+s2+$0x0], $0xffff  }
0x187: {  	v55 =	vld [tilespmem:$0x19620]  }
0x188: {  	v56 =	vld [tilespmem:$0x19A20]  }
0x189: {  	v57 =	vld [tilespmem:$0x18A30];
	_ =	sdelay $0x1  }
0x18a: {  	v1 =	vadd.f32 v53, v0  }
0x18b: {  	v2 =	vadd.f32 v54, v0  }
0x18c: {  	v58 =	vadd.f32 v55, v0;
	[tilespmem:$0x1A420] =	vst v1  }
0x18d: {  	v0 =	vadd.f32 v56, v0;
	[tilespmem:$0x1A4A0] =	vst v2  }
0x18e: {  	v60 =	vld [tilespmem:$0x19230];
	[tilespmem:$0x1A520] =	vst v58  }
0x18f: {  	v59 =	vld [tilespmem:$0x18E30];
	[tilespmem:$0x1A5A0] =	vst v0  }
0x190: {  	v0 =	vld.idx.msk [tilespmem:v57+s2+$0x0], $0xffff  }
0x191: {  	v61 =	vld [tilespmem:$0x19630]  }
0x192: {  	v62 =	vld [tilespmem:$0x19A30]  }
0x193: {  	v63 =	vld [tilespmem:$0x18A40];
	_ =	sdelay $0x1  }
0x194: {  	v1 =	vadd.f32 v59, v0  }
0x195: {  	v2 =	vadd.f32 v60, v0  }
0x196: {  	v8 =	vadd.f32 v61, v0;
	[tilespmem:$0x1A430] =	vst v1  }
0x197: {  	v0 =	vadd.f32 v62, v0;
	[tilespmem:$0x1A4B0] =	vst v2  }
0x198: {  	v10 =	vld [tilespmem:$0x19240];
	[tilespmem:$0x1A530] =	vst v8  }
0x199: {  	v9 =	vld [tilespmem:$0x18E40];
	[tilespmem:$0x1A5B0] =	vst v0  }
0x19a: {  	v0 =	vld.idx.msk [tilespmem:v63+s2+$0x0], $0xffff  }
0x19b: {  	v11 =	vld [tilespmem:$0x19640]  }
0x19c: {  	v12 =	vld [tilespmem:$0x19A40]  }
0x19d: {  	v13 =	vld [tilespmem:$0x18A50];
	_ =	sdelay $0x1  }
0x19e: {  	v1 =	vadd.f32 v9, v0  }
0x19f: {  	v2 =	vadd.f32 v10, v0  }
0x1a0: {  	v14 =	vadd.f32 v11, v0;
	[tilespmem:$0x1A440] =	vst v1  }
0x1a1: {  	v0 =	vadd.f32 v12, v0;
	[tilespmem:$0x1A4C0] =	vst v2  }
0x1a2: {  	v16 =	vld [tilespmem:$0x19250];
	[tilespmem:$0x1A540] =	vst v14  }
0x1a3: {  	v15 =	vld [tilespmem:$0x18E50];
	[tilespmem:$0x1A5C0] =	vst v0  }
0x1a4: {  	v0 =	vld.idx.msk [tilespmem:v13+s2+$0x0], $0xffff  }
0x1a5: {  	v17 =	vld [tilespmem:$0x19650]  }
0x1a6: {  	v18 =	vld [tilespmem:$0x19A50]  }
0x1a7: {  	v19 =	vld [tilespmem:$0x18A60];
	_ =	sdelay $0x1  }
0x1a8: {  	v1 =	vadd.f32 v15, v0  }
0x1a9: {  	v2 =	vadd.f32 v16, v0  }
0x1aa: {  	v20 =	vadd.f32 v17, v0;
	[tilespmem:$0x1A450] =	vst v1  }
0x1ab: {  	v0 =	vadd.f32 v18, v0;
	[tilespmem:$0x1A4D0] =	vst v2  }
0x1ac: {  	v22 =	vld [tilespmem:$0x19260];
	[tilespmem:$0x1A550] =	vst v20  }
0x1ad: {  	v21 =	vld [tilespmem:$0x18E60];
	[tilespmem:$0x1A5D0] =	vst v0  }
0x1ae: {  	v0 =	vld.idx.msk [tilespmem:v19+s2+$0x0], $0xffff  }
0x1af: {  	v23 =	vld [tilespmem:$0x19660]  }
0x1b0: {  	v24 =	vld [tilespmem:$0x19A60]  }
0x1b1: {  	v25 =	vld [tilespmem:$0x18A70];
	_ =	sdelay $0x1  }
0x1b2: {  	v1 =	vadd.f32 v21, v0  }
0x1b3: {  	v2 =	vadd.f32 v22, v0  }
0x1b4: {  	v26 =	vadd.f32 v23, v0;
	[tilespmem:$0x1A460] =	vst v1  }
0x1b5: {  	v0 =	vadd.f32 v24, v0;
	[tilespmem:$0x1A4E0] =	vst v2  }
0x1b6: {  	v28 =	vld [tilespmem:$0x19270];
	[tilespmem:$0x1A560] =	vst v26  }
0x1b7: {  	v27 =	vld [tilespmem:$0x18E70];
	[tilespmem:$0x1A5E0] =	vst v0  }
0x1b8: {  	v0 =	vld.idx.msk [tilespmem:v25+s2+$0x0], $0xffff  }
0x1b9: {  	v29 =	vld [tilespmem:$0x19670]  }
0x1ba: {  	v30 =	vld [tilespmem:$0x19A70]  }
0x1bb: {  	v31 =	vld [tilespmem:$0x18A80];
	_ =	sdelay $0x1  }
0x1bc: {  	v1 =	vadd.f32 v27, v0  }
0x1bd: {  	v2 =	vadd.f32 v28, v0  }
0x1be: {  	v32 =	vadd.f32 v29, v0;
	[tilespmem:$0x1A470] =	vst v1  }
0x1bf: {  	v0 =	vadd.f32 v30, v0;
	[tilespmem:$0x1A4F0] =	vst v2  }
0x1c0: {  	v34 =	vld [tilespmem:$0x19280];
	[tilespmem:$0x1A570] =	vst v32  }
0x1c1: {  	v33 =	vld [tilespmem:$0x18E80];
	[tilespmem:$0x1A5F0] =	vst v0  }
0x1c2: {  	v0 =	vld.idx.msk [tilespmem:v31+s2+$0x0], $0xffff  }
0x1c3: {  	v35 =	vld [tilespmem:$0x19680]  }
0x1c4: {  	v36 =	vld [tilespmem:$0x19A80]  }
0x1c5: {  	v37 =	vld [tilespmem:$0x18A90];
	_ =	sdelay $0x1  }
0x1c6: {  	v1 =	vadd.f32 v33, v0  }
0x1c7: {  	v2 =	vadd.f32 v34, v0  }
0x1c8: {  	v38 =	vadd.f32 v35, v0;
	[tilespmem:$0x1A600] =	vst v1  }
0x1c9: {  	v0 =	vadd.f32 v36, v0;
	[tilespmem:$0x1A680] =	vst v2  }
0x1ca: {  	v40 =	vld [tilespmem:$0x19290];
	[tilespmem:$0x1A700] =	vst v38  }
0x1cb: {  	v39 =	vld [tilespmem:$0x18E90];
	[tilespmem:$0x1A780] =	vst v0  }
0x1cc: {  	v0 =	vld.idx.msk [tilespmem:v37+s2+$0x0], $0xffff  }
0x1cd: {  	v41 =	vld [tilespmem:$0x19690]  }
0x1ce: {  	v42 =	vld [tilespmem:$0x19A90]  }
0x1cf: {  	v43 =	vld [tilespmem:$0x18AA0];
	_ =	sdelay $0x1  }
0x1d0: {  	v1 =	vadd.f32 v39, v0  }
0x1d1: {  	v2 =	vadd.f32 v40, v0  }
0x1d2: {  	v44 =	vadd.f32 v41, v0;
	[tilespmem:$0x1A610] =	vst v1  }
0x1d3: {  	v0 =	vadd.f32 v42, v0;
	[tilespmem:$0x1A690] =	vst v2  }
0x1d4: {  	v46 =	vld [tilespmem:$0x192A0];
	[tilespmem:$0x1A710] =	vst v44  }
0x1d5: {  	v45 =	vld [tilespmem:$0x18EA0];
	[tilespmem:$0x1A790] =	vst v0  }
0x1d6: {  	v0 =	vld.idx.msk [tilespmem:v43+s2+$0x0], $0xffff  }
0x1d7: {  	v47 =	vld [tilespmem:$0x196A0]  }
0x1d8: {  	v48 =	vld [tilespmem:$0x19AA0]  }
0x1d9: {  	v49 =	vld [tilespmem:$0x18AB0];
	_ =	sdelay $0x1  }
0x1da: {  	v1 =	vadd.f32 v45, v0  }
0x1db: {  	v2 =	vadd.f32 v46, v0  }
0x1dc: {  	v50 =	vadd.f32 v47, v0;
	[tilespmem:$0x1A620] =	vst v1  }
0x1dd: {  	v0 =	vadd.f32 v48, v0;
	[tilespmem:$0x1A6A0] =	vst v2  }
0x1de: {  	v52 =	vld [tilespmem:$0x192B0];
	[tilespmem:$0x1A720] =	vst v50  }
0x1df: {  	v51 =	vld [tilespmem:$0x18EB0];
	[tilespmem:$0x1A7A0] =	vst v0  }
0x1e0: {  	v0 =	vld.idx.msk [tilespmem:v49+s2+$0x0], $0xffff  }
0x1e1: {  	v53 =	vld [tilespmem:$0x196B0]  }
0x1e2: {  	v54 =	vld [tilespmem:$0x19AB0]  }
0x1e3: {  	v55 =	vld [tilespmem:$0x18AC0];
	_ =	sdelay $0x1  }
0x1e4: {  	v1 =	vadd.f32 v51, v0  }
0x1e5: {  	v2 =	vadd.f32 v52, v0  }
0x1e6: {  	v56 =	vadd.f32 v53, v0;
	[tilespmem:$0x1A630] =	vst v1  }
0x1e7: {  	v0 =	vadd.f32 v54, v0;
	[tilespmem:$0x1A6B0] =	vst v2  }
0x1e8: {  	v58 =	vld [tilespmem:$0x192C0];
	[tilespmem:$0x1A730] =	vst v56  }
0x1e9: {  	v57 =	vld [tilespmem:$0x18EC0];
	[tilespmem:$0x1A7B0] =	vst v0  }
0x1ea: {  	v0 =	vld.idx.msk [tilespmem:v55+s2+$0x0], $0xffff  }
0x1eb: {  	v59 =	vld [tilespmem:$0x196C0]  }
0x1ec: {  	v60 =	vld [tilespmem:$0x19AC0]  }
0x1ed: {  	v61 =	vld [tilespmem:$0x18AD0];
	_ =	sdelay $0x1  }
0x1ee: {  	v1 =	vadd.f32 v57, v0  }
0x1ef: {  	v2 =	vadd.f32 v58, v0  }
0x1f0: {  	v62 =	vadd.f32 v59, v0;
	[tilespmem:$0x1A640] =	vst v1  }
0x1f1: {  	v0 =	vadd.f32 v60, v0;
	[tilespmem:$0x1A6C0] =	vst v2  }
0x1f2: {  	v8 =	vld [tilespmem:$0x192D0];
	[tilespmem:$0x1A740] =	vst v62  }
0x1f3: {  	v63 =	vld [tilespmem:$0x18ED0];
	[tilespmem:$0x1A7C0] =	vst v0  }
0x1f4: {  	v0 =	vld.idx.msk [tilespmem:v61+s2+$0x0], $0xffff  }
0x1f5: {  	v9 =	vld [tilespmem:$0x196D0]  }
0x1f6: {  	v10 =	vld [tilespmem:$0x19AD0]  }
0x1f7: {  	v11 =	vld [tilespmem:$0x18AE0];
	_ =	sdelay $0x1  }
0x1f8: {  	v1 =	vadd.f32 v63, v0  }
0x1f9: {  	v2 =	vadd.f32 v8, v0  }
0x1fa: {  	v12 =	vadd.f32 v9, v0;
	[tilespmem:$0x1A650] =	vst v1  }
0x1fb: {  	v0 =	vadd.f32 v10, v0;
	[tilespmem:$0x1A6D0] =	vst v2  }
0x1fc: {  	v14 =	vld [tilespmem:$0x192E0];
	[tilespmem:$0x1A750] =	vst v12  }
0x1fd: {  	v13 =	vld [tilespmem:$0x18EE0];
	[tilespmem:$0x1A7D0] =	vst v0  }
0x1fe: {  	v0 =	vld.idx.msk [tilespmem:v11+s2+$0x0], $0xffff  }
0x1ff: {  	v15 =	vld [tilespmem:$0x196E0]  }
0x200: {  	v16 =	vld [tilespmem:$0x19AE0]  }
0x201: {  	v17 =	vld [tilespmem:$0x18AF0];
	_ =	sdelay $0x1  }
0x202: {  	v1 =	vadd.f32 v13, v0  }
0x203: {  	v2 =	vadd.f32 v14, v0  }
0x204: {  	v18 =	vadd.f32 v15, v0;
	[tilespmem:$0x1A660] =	vst v1  }
0x205: {  	v0 =	vadd.f32 v16, v0;
	[tilespmem:$0x1A6E0] =	vst v2  }
0x206: {  	v20 =	vld [tilespmem:$0x192F0];
	[tilespmem:$0x1A760] =	vst v18  }
0x207: {  	v19 =	vld [tilespmem:$0x18EF0];
	[tilespmem:$0x1A7E0] =	vst v0  }
0x208: {  	v0 =	vld.idx.msk [tilespmem:v17+s2+$0x0], $0xffff  }
0x209: {  	v21 =	vld [tilespmem:$0x196F0]  }
0x20a: {  	v22 =	vld [tilespmem:$0x19AF0]  }
0x20b: {  	v23 =	vld [tilespmem:$0x18B00];
	_ =	sdelay $0x1  }
0x20c: {  	v1 =	vadd.f32 v19, v0  }
0x20d: {  	v2 =	vadd.f32 v20, v0  }
0x20e: {  	v24 =	vadd.f32 v21, v0;
	[tilespmem:$0x1A670] =	vst v1  }
0x20f: {  	v0 =	vadd.f32 v22, v0;
	[tilespmem:$0x1A6F0] =	vst v2  }
0x210: {  	v26 =	vld [tilespmem:$0x19300];
	[tilespmem:$0x1A770] =	vst v24  }
0x211: {  	v25 =	vld [tilespmem:$0x18F00];
	[tilespmem:$0x1A7F0] =	vst v0  }
0x212: {  	v0 =	vld.idx.msk [tilespmem:v23+s2+$0x0], $0xffff  }
0x213: {  	v27 =	vld [tilespmem:$0x19700]  }
0x214: {  	v28 =	vld [tilespmem:$0x19B00]  }
0x215: {  	v29 =	vld [tilespmem:$0x18B10];
	_ =	sdelay $0x1  }
0x216: {  	v1 =	vadd.f32 v25, v0  }
0x217: {  	v2 =	vadd.f32 v26, v0  }
0x218: {  	v30 =	vadd.f32 v27, v0;
	[tilespmem:$0x1A800] =	vst v1  }
0x219: {  	v0 =	vadd.f32 v28, v0;
	[tilespmem:$0x1A880] =	vst v2  }
0x21a: {  	v32 =	vld [tilespmem:$0x19310];
	[tilespmem:$0x1A900] =	vst v30  }
0x21b: {  	v31 =	vld [tilespmem:$0x18F10];
	[tilespmem:$0x1A980] =	vst v0  }
0x21c: {  	v0 =	vld.idx.msk [tilespmem:v29+s2+$0x0], $0xffff  }
0x21d: {  	v33 =	vld [tilespmem:$0x19710]  }
0x21e: {  	v34 =	vld [tilespmem:$0x19B10]  }
0x21f: {  	v35 =	vld [tilespmem:$0x18B20];
	_ =	sdelay $0x1  }
0x220: {  	v1 =	vadd.f32 v31, v0  }
0x221: {  	v2 =	vadd.f32 v32, v0  }
0x222: {  	v36 =	vadd.f32 v33, v0;
	[tilespmem:$0x1A810] =	vst v1  }
0x223: {  	v0 =	vadd.f32 v34, v0;
	[tilespmem:$0x1A890] =	vst v2  }
0x224: {  	v38 =	vld [tilespmem:$0x19320];
	[tilespmem:$0x1A910] =	vst v36  }
0x225: {  	v37 =	vld [tilespmem:$0x18F20];
	[tilespmem:$0x1A990] =	vst v0  }
0x226: {  	v0 =	vld.idx.msk [tilespmem:v35+s2+$0x0], $0xffff  }
0x227: {  	v39 =	vld [tilespmem:$0x19720]  }
0x228: {  	v40 =	vld [tilespmem:$0x19B20]  }
0x229: {  	v41 =	vld [tilespmem:$0x18B30];
	_ =	sdelay $0x1  }
0x22a: {  	v1 =	vadd.f32 v37, v0  }
0x22b: {  	v2 =	vadd.f32 v38, v0  }
0x22c: {  	v42 =	vadd.f32 v39, v0;
	[tilespmem:$0x1A820] =	vst v1  }
0x22d: {  	v0 =	vadd.f32 v40, v0;
	[tilespmem:$0x1A8A0] =	vst v2  }
0x22e: {  	v44 =	vld [tilespmem:$0x19330];
	[tilespmem:$0x1A920] =	vst v42  }
0x22f: {  	v43 =	vld [tilespmem:$0x18F30];
	[tilespmem:$0x1A9A0] =	vst v0  }
0x230: {  	v0 =	vld.idx.msk [tilespmem:v41+s2+$0x0], $0xffff  }
0x231: {  	v45 =	vld [tilespmem:$0x19730]  }
0x232: {  	v46 =	vld [tilespmem:$0x19B30]  }
0x233: {  	v47 =	vld [tilespmem:$0x18B40];
	_ =	sdelay $0x1  }
0x234: {  	v1 =	vadd.f32 v43, v0  }
0x235: {  	v2 =	vadd.f32 v44, v0  }
0x236: {  	v48 =	vadd.f32 v45, v0;
	[tilespmem:$0x1A830] =	vst v1  }
0x237: {  	v0 =	vadd.f32 v46, v0;
	[tilespmem:$0x1A8B0] =	vst v2  }
0x238: {  	v50 =	vld [tilespmem:$0x19340];
	[tilespmem:$0x1A930] =	vst v48  }
0x239: {  	v49 =	vld [tilespmem:$0x18F40];
	[tilespmem:$0x1A9B0] =	vst v0  }
0x23a: {  	v0 =	vld.idx.msk [tilespmem:v47+s2+$0x0], $0xffff  }
0x23b: {  	v51 =	vld [tilespmem:$0x19740]  }
0x23c: {  	v52 =	vld [tilespmem:$0x19B40]  }
0x23d: {  	v53 =	vld [tilespmem:$0x18B50];
	_ =	sdelay $0x1  }
0x23e: {  	v1 =	vadd.f32 v49, v0  }
0x23f: {  	v2 =	vadd.f32 v50, v0  }
0x240: {  	v54 =	vadd.f32 v51, v0;
	[tilespmem:$0x1A840] =	vst v1  }
0x241: {  	v0 =	vadd.f32 v52, v0;
	[tilespmem:$0x1A8C0] =	vst v2  }
0x242: {  	v56 =	vld [tilespmem:$0x19350];
	[tilespmem:$0x1A940] =	vst v54  }
0x243: {  	v55 =	vld [tilespmem:$0x18F50];
	[tilespmem:$0x1A9C0] =	vst v0  }
0x244: {  	v0 =	vld.idx.msk [tilespmem:v53+s2+$0x0], $0xffff  }
0x245: {  	v57 =	vld [tilespmem:$0x19750]  }
0x246: {  	v58 =	vld [tilespmem:$0x19B50]  }
0x247: {  	v59 =	vld [tilespmem:$0x18B60];
	_ =	sdelay $0x1  }
0x248: {  	v1 =	vadd.f32 v55, v0  }
0x249: {  	v2 =	vadd.f32 v56, v0  }
0x24a: {  	v60 =	vadd.f32 v57, v0;
	[tilespmem:$0x1A850] =	vst v1  }
0x24b: {  	v0 =	vadd.f32 v58, v0;
	[tilespmem:$0x1A8D0] =	vst v2  }
0x24c: {  	v62 =	vld [tilespmem:$0x19360];
	[tilespmem:$0x1A950] =	vst v60  }
0x24d: {  	v61 =	vld [tilespmem:$0x18F60];
	[tilespmem:$0x1A9D0] =	vst v0  }
0x24e: {  	v0 =	vld.idx.msk [tilespmem:v59+s2+$0x0], $0xffff  }
0x24f: {  	v63 =	vld [tilespmem:$0x19760]  }
0x250: {  	v8 =	vld [tilespmem:$0x19B60]  }
0x251: {  	v9 =	vld [tilespmem:$0x18B70];
	_ =	sdelay $0x1  }
0x252: {  	v1 =	vadd.f32 v61, v0  }
0x253: {  	v2 =	vadd.f32 v62, v0  }
0x254: {  	v10 =	vadd.f32 v63, v0;
	[tilespmem:$0x1A860] =	vst v1  }
0x255: {  	v0 =	vadd.f32 v8, v0;
	[tilespmem:$0x1A8E0] =	vst v2  }
0x256: {  	v12 =	vld [tilespmem:$0x19370];
	[tilespmem:$0x1A960] =	vst v10  }
0x257: {  	v11 =	vld [tilespmem:$0x18F70];
	[tilespmem:$0x1A9E0] =	vst v0  }
0x258: {  	v0 =	vld.idx.msk [tilespmem:v9+s2+$0x0], $0xffff  }
0x259: {  	v13 =	vld [tilespmem:$0x19770]  }
0x25a: {  	v14 =	vld [tilespmem:$0x19B70]  }
0x25b: {  	v15 =	vld [tilespmem:$0x18B80];
	_ =	sdelay $0x1  }
0x25c: {  	v1 =	vadd.f32 v11, v0  }
0x25d: {  	v2 =	vadd.f32 v12, v0  }
0x25e: {  	v16 =	vadd.f32 v13, v0;
	[tilespmem:$0x1A870] =	vst v1  }
0x25f: {  	v0 =	vadd.f32 v14, v0;
	[tilespmem:$0x1A8F0] =	vst v2  }
0x260: {  	v18 =	vld [tilespmem:$0x19380];
	[tilespmem:$0x1A970] =	vst v16  }
0x261: {  	v17 =	vld [tilespmem:$0x18F80];
	[tilespmem:$0x1A9F0] =	vst v0  }
0x262: {  	v0 =	vld.idx.msk [tilespmem:v15+s2+$0x0], $0xffff  }
0x263: {  	v19 =	vld [tilespmem:$0x19780]  }
0x264: {  	v20 =	vld [tilespmem:$0x19B80]  }
0x265: {  	v21 =	vld [tilespmem:$0x18B90];
	_ =	sdelay $0x1  }
0x266: {  	v1 =	vadd.f32 v17, v0  }
0x267: {  	v2 =	vadd.f32 v18, v0  }
0x268: {  	v22 =	vadd.f32 v19, v0;
	[tilespmem:$0x1AA00] =	vst v1  }
0x269: {  	v0 =	vadd.f32 v20, v0;
	[tilespmem:$0x1AA80] =	vst v2  }
0x26a: {  	v24 =	vld [tilespmem:$0x19390];
	[tilespmem:$0x1AB00] =	vst v22  }
0x26b: {  	v23 =	vld [tilespmem:$0x18F90];
	[tilespmem:$0x1AB80] =	vst v0  }
0x26c: {  	v0 =	vld.idx.msk [tilespmem:v21+s2+$0x0], $0xffff  }
0x26d: {  	v25 =	vld [tilespmem:$0x19790]  }
0x26e: {  	v26 =	vld [tilespmem:$0x19B90]  }
0x26f: {  	v27 =	vld [tilespmem:$0x18BA0];
	_ =	sdelay $0x1  }
0x270: {  	v1 =	vadd.f32 v23, v0  }
0x271: {  	v2 =	vadd.f32 v24, v0  }
0x272: {  	v28 =	vadd.f32 v25, v0;
	[tilespmem:$0x1AA10] =	vst v1  }
0x273: {  	v0 =	vadd.f32 v26, v0;
	[tilespmem:$0x1AA90] =	vst v2  }
0x274: {  	v30 =	vld [tilespmem:$0x193A0];
	[tilespmem:$0x1AB10] =	vst v28  }
0x275: {  	v29 =	vld [tilespmem:$0x18FA0];
	[tilespmem:$0x1AB90] =	vst v0  }
0x276: {  	v0 =	vld.idx.msk [tilespmem:v27+s2+$0x0], $0xffff  }
0x277: {  	v31 =	vld [tilespmem:$0x197A0]  }
0x278: {  	v32 =	vld [tilespmem:$0x19BA0]  }
0x279: {  	v33 =	vld [tilespmem:$0x18BB0];
	_ =	sdelay $0x1  }
0x27a: {  	v1 =	vadd.f32 v29, v0  }
0x27b: {  	v2 =	vadd.f32 v30, v0  }
0x27c: {  	v34 =	vadd.f32 v31, v0;
	[tilespmem:$0x1AA20] =	vst v1  }
0x27d: {  	v0 =	vadd.f32 v32, v0;
	[tilespmem:$0x1AAA0] =	vst v2  }
0x27e: {  	v36 =	vld [tilespmem:$0x193B0];
	[tilespmem:$0x1AB20] =	vst v34  }
0x27f: {  	v35 =	vld [tilespmem:$0x18FB0];
	[tilespmem:$0x1ABA0] =	vst v0  }
0x280: {  	v0 =	vld.idx.msk [tilespmem:v33+s2+$0x0], $0xffff  }
0x281: {  	v37 =	vld [tilespmem:$0x197B0]  }
0x282: {  	v38 =	vld [tilespmem:$0x19BB0]  }
0x283: {  	v39 =	vld [tilespmem:$0x18BC0];
	_ =	sdelay $0x1  }
0x284: {  	v1 =	vadd.f32 v35, v0  }
0x285: {  	v2 =	vadd.f32 v36, v0  }
0x286: {  	v40 =	vadd.f32 v37, v0;
	[tilespmem:$0x1AA30] =	vst v1  }
0x287: {  	v0 =	vadd.f32 v38, v0;
	[tilespmem:$0x1AAB0] =	vst v2  }
0x288: {  	v42 =	vld [tilespmem:$0x193C0];
	[tilespmem:$0x1AB30] =	vst v40  }
0x289: {  	v41 =	vld [tilespmem:$0x18FC0];
	[tilespmem:$0x1ABB0] =	vst v0  }
0x28a: {  	v0 =	vld.idx.msk [tilespmem:v39+s2+$0x0], $0xffff  }
0x28b: {  	v43 =	vld [tilespmem:$0x197C0]  }
0x28c: {  	v44 =	vld [tilespmem:$0x19BC0]  }
0x28d: {  	v45 =	vld [tilespmem:$0x18BD0];
	_ =	sdelay $0x1  }
0x28e: {  	v1 =	vadd.f32 v41, v0  }
0x28f: {  	v2 =	vadd.f32 v42, v0  }
0x290: {  	v46 =	vadd.f32 v43, v0;
	[tilespmem:$0x1AA40] =	vst v1  }
0x291: {  	v0 =	vadd.f32 v44, v0;
	[tilespmem:$0x1AAC0] =	vst v2  }
0x292: {  	v48 =	vld [tilespmem:$0x193D0];
	[tilespmem:$0x1AB40] =	vst v46  }
0x293: {  	v47 =	vld [tilespmem:$0x18FD0];
	[tilespmem:$0x1ABC0] =	vst v0  }
0x294: {  	v0 =	vld.idx.msk [tilespmem:v45+s2+$0x0], $0xffff  }
0x295: {  	v49 =	vld [tilespmem:$0x197D0]  }
0x296: {  	v50 =	vld [tilespmem:$0x19BD0]  }
0x297: {  	v51 =	vld [tilespmem:$0x18BE0];
	_ =	sdelay $0x1  }
0x298: {  	v1 =	vadd.f32 v47, v0  }
0x299: {  	v2 =	vadd.f32 v48, v0  }
0x29a: {  	v52 =	vadd.f32 v49, v0;
	[tilespmem:$0x1AA50] =	vst v1  }
0x29b: {  	v0 =	vadd.f32 v50, v0;
	[tilespmem:$0x1AAD0] =	vst v2  }
0x29c: {  	v54 =	vld [tilespmem:$0x193E0];
	[tilespmem:$0x1AB50] =	vst v52  }
0x29d: {  	v53 =	vld [tilespmem:$0x18FE0];
	[tilespmem:$0x1ABD0] =	vst v0  }
0x29e: {  	v0 =	vld.idx.msk [tilespmem:v51+s2+$0x0], $0xffff  }
0x29f: {  	v55 =	vld [tilespmem:$0x197E0]  }
0x2a0: {  	v56 =	vld [tilespmem:$0x19BE0]  }
0x2a1: {  	v57 =	vld [tilespmem:$0x18BF0];
	_ =	sdelay $0x1  }
0x2a2: {  	v1 =	vadd.f32 v53, v0  }
0x2a3: {  	v2 =	vadd.f32 v54, v0  }
0x2a4: {  	v58 =	vadd.f32 v55, v0;
	[tilespmem:$0x1AA60] =	vst v1  }
0x2a5: {  	v0 =	vadd.f32 v56, v0;
	[tilespmem:$0x1AAE0] =	vst v2  }
0x2a6: {  	[tilespmem:$0x1AB60] =	vst v58  }
0x2a7: {  	v59 =	vld [tilespmem:$0x18FF0];
	[tilespmem:$0x1ABE0] =	vst v0  }
0x2a8: {  	v0 =	vld.idx.msk [tilespmem:v57+s2+$0x0], $0xffff  }
0x2a9: {  	v60 =	vld [tilespmem:$0x193F0]  }
0x2aa: {  	v61 =	vld [tilespmem:$0x197F0]  }
0x2ab: {  	v62 =	vld [tilespmem:$0x19BF0];
	_ =	sdelay $0x1  }
0x2ac: {  	v1 =	vadd.f32 v59, v0  }
0x2ad: {  	v2 =	vadd.f32 v60, v0  }
0x2ae: {  	v63 =	vadd.f32 v61, v0;
	[tilespmem:$0x1AA70] =	vst v1  }
0x2af: {  	s22 =	sshll.u32 s22, $0x6;
	v0 =	vadd.f32 v62, v0;
	[tilespmem:$0x1AAF0] =	vst v2  }
0x2b0: {  	p0 =	sne.s32 s21, $0x180;
	s22 =	sand.u32 $0x1FFFFF80, s22;
	[tilespmem:$0x1AB70] =	vst v63  }
.Ltmp0:
0x2b1: {  	s22 =	sadd.s32 s9, s22;
	[tilespmem:$0x1ABF0] =	vst v0;
	(pc) =	sbr.rel @p0 .LBB2_2-.Ltmp0, $4  }
0x2b2: {  	[hbm4b:s22+s2] =	stream.linear.scatter [tilespmem:s19], [sflag:$0x1], $0x1000, $0x38;
	[tilespmem:$0x1AC00] =	vst v63  }
0x2b3: {  	_ =	swait.ge [sflag:s13], $0x1000  }
0x2b4: {  	[sflag:s13] =	ssyncset.done $0x0  }
0x2b5: {  	s21 =	sadd.s32 $0x8, s21;
	[sflag:s13] =	ssyncadd.s32 $0xFFFFF000  }
0x2b6: {  	s20 =	sadd.s32 $0x1, s20  }
0x2b7: {  	p0 =	sne.s32 s20, s12  }
.Ltmp1:
0x2b8: {  	_ = 	snop;
	(pc) =	sbr.rel @p0 .LBB2_1-.Ltmp1, $1  }
0x2b9: {  	_ =	sdelay $0x3  }
0x2ba: {  	_ =	sfence.sel $0x180000  }
0x2bb: {  	[bflag:$0x0] =	sbarrier.arrive $0xFFFF  }
0x2bc: {  	p0 =	sne.s32 s3, $0x0;
	_ =	strace $0x9000004A  }
0x2bd: {  	s0 =	sadd.s32 @!p0 $0x100000, s0;
	[bflag:$0x2] =	sbarrier.arrive $0xFFFF  }
0x2be: {  	[sflag:s0] =	ssyncadd.tile.s32 @!p0 $0x1;
	_ =	shalt  }
.Lfunc_end2:
_tile_overlayer_lowered:
.L_overlay_start_2:
0x2bf: {  	(tag) =	ssettag $0x2  }
0x2c0: {  	s0 =	rddreg [dreg:$0x0];
	s2 =	stileid.u32  }
0x2c1: {  	s1 =	rddreg [dreg:$0x1];
	p0 =	sne.s32 s2, $0x0  }
0x2c2: {  	s3 =	rddreg [dreg:$0x2];
	[bflag:$0x3] =	sbarrier.arrive $0xFFFF;
	s2 =	simm.s32 @!p0 $0x1C01  }
0x2c3: {  	[timem:s3], [sflag:s2] =	dma.local @!p0 [hbm:s0], s1  }
0x2c4: {  	s0 =	simm.s32 @!p0 $0x1  }
0x2c5: {  	_ =	swait.ge @!p0 [sflag:s0], s1  }
0x2c6: {  	s1 =	ssub.s32 @!p0 $0x0, s1;
	[sflag:s0] =	ssyncset.done @!p0 $0x0  }
0x2c7: {  	[sflag:s0] =	ssyncadd.s32 @!p0 s1  }
0x2c8: {  	[bflag:$0x3] =	sbarrier.arrive $0xFFFF  }
0x2c9: {  	_ =	shalt  }

</sc_bundles>
